<compile_context>
chip_gen: v7x
topology: tpu7x:2x2x1
jax: 0.10.2.dev20260603
libtpu: 0.0.44.dev20260713+nightly
codegen_flags: <defaults>
</compile_context>

<pallas_src>
import jax
import jax.numpy as jnp
from jax import lax
from jax.experimental import pallas as pl
from jax.experimental.pallas import tpu as pltpu
from jax.experimental.pallas import tpu_sc as plsc

B = 4
S = 2048
C = 2048
POOL = 64
LEN = 5
TOPK = 8
HEAD = TOPK * LEN
CHUNK = 512
JX = S // CHUNK


def _route(sums, pk, sim_ref, idx_ref, idx40_ref, rsum_ref):
    xm = sums * (1.0 / S)
    xn = xm * lax.rsqrt(jnp.maximum(jnp.sum(xm * xm, axis=1, keepdims=True), 1e-12))
    pkn = pk * lax.rsqrt(jnp.maximum(jnp.sum(pk * pk, axis=1, keepdims=True), 1e-12))
    sim = lax.dot_general(
        xn, pkn, (((1,), (1,)), ((), ())),
        preferred_element_type=jnp.float32,
        precision=lax.Precision.DEFAULT,
    )
    sim_ref[...] = sim

    col = lax.broadcasted_iota(jnp.int32, (B, POOL), 1)
    sub = lax.broadcasted_iota(jnp.int32, (B, LEN), 1)
    masked = sim
    acc = jnp.float32(0.0)
    for t in range(TOPK):
        m = jnp.max(masked, axis=1, keepdims=True)
        acc = acc + jnp.sum(m)
        it = jnp.min(jnp.where(masked == m, col, POOL), axis=1)
        idx_ref[:, t : t + 1] = it[:, None]
        idx40_ref[:, LEN * t : LEN * (t + 1)] = it[:, None] * LEN + sub
        masked = jnp.where(col == it[:, None], -jnp.inf, masked)
    rsum_ref[...] = jnp.full((1, 1), acc * (1.0 / B), jnp.float32)


def _bulk_body(x_ref, pk_ref, out_ref, sim_ref, idx_ref, idx40_ref, rsum_ref,
               sums_ref, carry_ref):
    b = pl.program_id(0)
    j = pl.program_id(1)

    @pl.when(j < JX)
    def _():
        part = jnp.sum(x_ref[0], axis=0)[None, None, :]

        for i in range(B):
            @pl.when((b == i) & (j == 0))
            def _(i=i):
                sums_ref[i : i + 1] = part

            @pl.when((b == i) & (j > 0))
            def _(i=i):
                sums_ref[i : i + 1] = sums_ref[i : i + 1] + part

        out_ref[0, :HEAD, :] = carry_ref[...]
        out_ref[0, HEAD:, :] = x_ref[0, : CHUNK - HEAD, :]
        carry_ref[...] = x_ref[0, CHUNK - HEAD :, :]

    @pl.when(j == JX)
    def _():
        out_ref[0, :HEAD, :] = carry_ref[...]

    @pl.when((b == B - 1) & (j == JX))
    def _():
        _route(sums_ref[:, 0, :], pk_ref[...], sim_ref, idx_ref, idx40_ref,
               rsum_ref)


def _head_body(idx40_hbm, prompt_hbm, out_hbm, idx_v, rows_v, sem):
    wid = lax.axis_index("s") * 2 + lax.axis_index("c")

    @pl.when(wid < B)
    def _():
        b = wid
        pltpu.sync_copy(idx40_hbm.at[b], idx_v)
        pltpu.async_copy(prompt_hbm.at[idx_v], rows_v, sem).wait()
        pltpu.sync_copy(rows_v, out_hbm.at[b, pl.ds(0, HEAD), :])


def kernel(x_embed, prompt, prompt_key):
    big, sim, idx, idx40, rsum = pl.pallas_call(
        _bulk_body,
        grid=(B, JX + 1),
        in_specs=[
            pl.BlockSpec((1, CHUNK, C), lambda b, j: (b, jnp.minimum(j, JX - 1), 0)),
            pl.BlockSpec((POOL, C), lambda b, j: (0, 0)),
        ],
        out_specs=[
            pl.BlockSpec((1, CHUNK, C), lambda b, j: (b, j, 0)),
            pl.BlockSpec((B, POOL), lambda b, j: (0, 0)),
            pl.BlockSpec((B, TOPK), lambda b, j: (0, 0)),
            pl.BlockSpec((B, HEAD), lambda b, j: (0, 0)),
            pl.BlockSpec((1, 1), lambda b, j: (0, 0)),
        ],
        out_shape=[
            jax.ShapeDtypeStruct((B, HEAD + S, C), jnp.float32),
            jax.ShapeDtypeStruct((B, POOL), jnp.float32),
            jax.ShapeDtypeStruct((B, TOPK), jnp.int32),
            jax.ShapeDtypeStruct((B, HEAD), jnp.int32),
            jax.ShapeDtypeStruct((1, 1), jnp.float32),
        ],
        scratch_shapes=[
            pltpu.VMEM((B, 1, C), jnp.float32),
            pltpu.VMEM((HEAD, C), jnp.float32),
        ],
    )(x_embed, prompt_key)

    mesh = plsc.VectorSubcoreMesh(core_axis_name="c", subcore_axis_name="s")
    gather_head = pl.kernel(
        _head_body,
        out_type=(),
        mesh=mesh,
        scratch_types=[
            pltpu.VMEM((HEAD,), jnp.int32),
            pltpu.VMEM((HEAD, C), jnp.float32),
            pltpu.SemaphoreType.DMA,
        ],
    )
    big_ref = jax.new_ref(big)
    gather_head(idx40, prompt.reshape(POOL * LEN, C), big_ref)
    prompted = jax.freeze(big_ref)

    return (prompted, rsum[0, 0], sim, idx)

# --- scband reference (transcript-rebuilt; emitter-appended) ---
"""Pipeline reference for scband-prompt-34617436405801 (READ-ONLY COPY).

The authoritative reference and input builder live on the scoring server;
editing this copy changes nothing except your own understanding.
"""

import jax, jax.numpy as jnp
import numpy as np


def l2_normalize(x, axis):
    square_sum = jnp.sum(x ** 2, axis=axis, keepdims=True)
    x_inv_norm = jax.lax.rsqrt(jnp.maximum(square_sum, 1e-12))
    return x * x_inv_norm


def setup_inputs(seed: int = 0) -> dict:
    key = jax.random.key(seed)
    k1, k2, k3 = jax.random.split(key, 3)
    x_embed = jax.random.normal(k1, (4, 2048, 2048), dtype=jnp.float32)
    # learned params sized per init_kwargs (pool_size=64, length=5, embed_dim=2048), uniform(-1, 1)
    prompt = jax.random.uniform(k2, (64, 5, 2048), minval=-1.0, maxval=1.0, dtype=jnp.float32)
    prompt_key = jax.random.uniform(k3, (64, 2048), minval=-1.0, maxval=1.0, dtype=jnp.float32)
    return {"x_embed": x_embed, "prompt": prompt, "prompt_key": prompt_key}


def reference(x_embed, prompt, prompt_key):
    top_k = 8
    # embedding_key == 'mean'
    x_embed_mean = jnp.mean(x_embed, axis=1)
    prompt_norm = l2_normalize(prompt_key, axis=1)
    x_embed_norm = l2_normalize(x_embed_mean, axis=1)
    similarity = jnp.matmul(x_embed_norm, prompt_norm.T)  # [B, pool_size]
    _, idx = jax.lax.top_k(similarity, top_k)  # [B, top_k]
    batched_prompt_raw = prompt[idx]  # [B, top_k, length, C]
    B, k, L, C = batched_prompt_raw.shape
    batched_prompt = batched_prompt_raw.reshape(B, k * L, C)
    batched_key_norm = prompt_norm[idx]  # [B, top_k, C]
    sim = batched_key_norm * x_embed_norm[:, None, :]
    reduce_sim = jnp.sum(sim) / x_embed.shape[0]
    prompted_embedding = jnp.concatenate([batched_prompt, x_embed], axis=1)  # [B, top_k*length + S, C]
    return (prompted_embedding, reduce_sim, similarity, idx)

if __name__ == "__main__":
    import jax
    _d = setup_inputs()
    print(jax.jit(kernel)(*tuple(_d.values())))

</pallas_src>

<mosaic_0001>
#map = affine_map<(d0, d1) -> (0, 0)>
#map1 = affine_map<(d0, d1) -> (0, 0, 0)>
module attributes {stable_mosaic.version = 14 : i64} {
  func.func @new_body(%arg0: i32, %arg1: i32, %arg2: memref<4x40xi32, #tpu.memory_space<hbm>>, %arg3: memref<320x2048xf32, #tpu.memory_space<hbm>>, %arg4: memref<4x2088x2048xf32, #tpu.memory_space<hbm>>, %arg5: memref<4x2088x2048xf32, #tpu.memory_space<hbm>>, %arg6: memref<40xi32, #tpu.memory_space<vmem>>, %arg7: memref<40x2048xf32, #tpu.memory_space<vmem>>, %arg8: memref<!tpu.dma_semaphore, #tpu.memory_space<semaphore_mem>>) attributes {dimension_semantics = [#tpu.dimension_semantics<core_parallel>, #tpu.dimension_semantics<subcore_parallel>], iteration_bounds = array<i64: 2, 16>, scalar_prefetch = 0 : i64, scratch_operands = 3 : i64, tpu.core_type = #tpu.core_type<sc_vector_subcore>, window_params = [{transform_indices = #map}, {transform_indices = #map}, {transform_indices = #map1}, {transform_indices = #map1}]} {
    %mul3A = arith.constant 2 : i32
    %mul3A_0 = arith.muli %arg1, %mul3A : i32
    %add3A = arith.addi %mul3A_0, %arg0 : i32
    %lt3A = arith.constant 4 : i32
    %lt3A_1 = arith.cmpi slt, %add3A, %lt3A : i32
    %convert_element_type3A = arith.extui %lt3A_1 : i1 to i32
    %cond3A = arith.constant 0 : i32
    %cond3A_2 = arith.cmpi ne, %convert_element_type3A, %cond3A : i32
    scf.if %cond3A_2 {
      "tpu.region"() ({
        %run_scoped3A = tpu.sem_alloc : memref<!tpu.dma_semaphore, #tpu.memory_space<semaphore_mem>>
        %dma_start3A_7 = arith.constant 0 : i32
        %dma_start3A_8 = tpu.memref_slice %arg2[%add3A, %dma_start3A_7] : memref<4x40xi32, #tpu.memory_space<hbm>> -> memref<1x40xi32, #tpu.memory_space<hbm>>
        %dma_start3A_9 = tpu.memref_squeeze %dma_start3A_8 : memref<1x40xi32, #tpu.memory_space<hbm>> -> memref<40xi32, #tpu.memory_space<hbm>>
        %dma_start3A_10 = arith.constant 0 : i32
        %dma_start3A_11 = tpu.memref_slice %arg2[%add3A, %dma_start3A_10] : memref<4x40xi32, #tpu.memory_space<hbm>> -> memref<1x40xi32, #tpu.memory_space<hbm>>
        %dma_start3A_12 = tpu.memref_squeeze %dma_start3A_11 : memref<1x40xi32, #tpu.memory_space<hbm>> -> memref<40xi32, #tpu.memory_space<hbm>>
        tpu.enqueue_dma source(%dma_start3A_12 : memref<40xi32, #tpu.memory_space<hbm>>) target(%arg6 : memref<40xi32, #tpu.memory_space<vmem>>) target_semaphore(%run_scoped3A : memref<!tpu.dma_semaphore, #tpu.memory_space<semaphore_mem>>)
        %dma_wait3A_13 = arith.constant 0 : i32
        %dma_wait3A_14 = tpu.memref_slice %arg2[%add3A, %dma_wait3A_13] : memref<4x40xi32, #tpu.memory_space<hbm>> -> memref<1x40xi32, #tpu.memory_space<hbm>>
        %dma_wait3A_15 = tpu.memref_squeeze %dma_wait3A_14 : memref<1x40xi32, #tpu.memory_space<hbm>> -> memref<40xi32, #tpu.memory_space<hbm>>
        %dma_wait3A_16 = arith.constant 0 : i32
        %dma_wait3A_17 = tpu.memref_slice %arg2[%add3A, %dma_wait3A_16] : memref<4x40xi32, #tpu.memory_space<hbm>> -> memref<1x40xi32, #tpu.memory_space<hbm>>
        %dma_wait3A_18 = tpu.memref_squeeze %dma_wait3A_17 : memref<1x40xi32, #tpu.memory_space<hbm>> -> memref<40xi32, #tpu.memory_space<hbm>>
        tpu.wait_dma2 semaphore(%run_scoped3A : memref<!tpu.dma_semaphore, #tpu.memory_space<semaphore_mem>>) src(%dma_wait3A_18 : memref<40xi32, #tpu.memory_space<hbm>>) dst(%arg6 : memref<40xi32, #tpu.memory_space<vmem>>)
        tpu.yield
      }) : () -> ()
      %dma_start3A = arith.constant 0 : i32
      %dma_start3A_3 = arith.constant 0 : i32
      %dma_start3A_4 = tpu.memref_slice %arg3[%dma_start3A, %dma_start3A_3] : memref<320x2048xf32, #tpu.memory_space<hbm>> -> memref<320x2048xf32, #tpu.memory_space<hbm>>
      tpu.enqueue_indirect_dma source(%dma_start3A_4 : memref<320x2048xf32, #tpu.memory_space<hbm>>) target(%arg7 : memref<40x2048xf32, #tpu.memory_space<vmem>>) offsets(%arg6 : memref<40xi32, #tpu.memory_space<vmem>>) semaphore(%arg8 : memref<!tpu.dma_semaphore, #tpu.memory_space<semaphore_mem>>)
      %dma_wait3A = arith.constant 0 : i32
      %dma_wait3A_5 = arith.constant 0 : i32
      %dma_wait3A_6 = tpu.memref_slice %arg3[%dma_wait3A, %dma_wait3A_5] : memref<320x2048xf32, #tpu.memory_space<hbm>> -> memref<320x2048xf32, #tpu.memory_space<hbm>>
      tpu.wait_indirect_dma semaphore(%arg8 : memref<!tpu.dma_semaphore, #tpu.memory_space<semaphore_mem>>) src(%dma_wait3A_6 : memref<320x2048xf32, #tpu.memory_space<hbm>>) dst(%arg7 : memref<40x2048xf32, #tpu.memory_space<vmem>>)
      "tpu.region"() ({
        %run_scoped3A = tpu.sem_alloc : memref<!tpu.dma_semaphore, #tpu.memory_space<semaphore_mem>>
        %dma_start3A_7 = arith.constant 0 : i32
        %dma_start3A_8 = arith.constant 0 : i32
        %dma_start3A_9 = tpu.memref_slice %arg4[%add3A, %dma_start3A_7, %dma_start3A_8] : memref<4x2088x2048xf32, #tpu.memory_space<hbm>> -> memref<1x40x2048xf32, #tpu.memory_space<hbm>>
        %dma_start3A_10 = tpu.memref_squeeze %dma_start3A_9 : memref<1x40x2048xf32, #tpu.memory_space<hbm>> -> memref<40x2048xf32, #tpu.memory_space<hbm>>
        %dma_start3A_11 = arith.constant 0 : i32
        %dma_start3A_12 = arith.constant 0 : i32
        %dma_start3A_13 = tpu.memref_slice %arg4[%add3A, %dma_start3A_11, %dma_start3A_12] : memref<4x2088x2048xf32, #tpu.memory_space<hbm>> -> memref<1x40x2048xf32, #tpu.memory_space<hbm>>
        %dma_start3A_14 = tpu.memref_squeeze %dma_start3A_13 : memref<1x40x2048xf32, #tpu.memory_space<hbm>> -> memref<40x2048xf32, #tpu.memory_space<hbm>>
        tpu.enqueue_dma source(%arg7 : memref<40x2048xf32, #tpu.memory_space<vmem>>) target(%dma_start3A_14 : memref<40x2048xf32, #tpu.memory_space<hbm>>) target_semaphore(%run_scoped3A : memref<!tpu.dma_semaphore, #tpu.memory_space<semaphore_mem>>)
        %dma_wait3A_15 = arith.constant 0 : i32
        %dma_wait3A_16 = arith.constant 0 : i32
        %dma_wait3A_17 = tpu.memref_slice %arg4[%add3A, %dma_wait3A_15, %dma_wait3A_16] : memref<4x2088x2048xf32, #tpu.memory_space<hbm>> -> memref<1x40x2048xf32, #tpu.memory_space<hbm>>
        %dma_wait3A_18 = tpu.memref_squeeze %dma_wait3A_17 : memref<1x40x2048xf32, #tpu.memory_space<hbm>> -> memref<40x2048xf32, #tpu.memory_space<hbm>>
        %dma_wait3A_19 = arith.constant 0 : i32
        %dma_wait3A_20 = arith.constant 0 : i32
        %dma_wait3A_21 = tpu.memref_slice %arg4[%add3A, %dma_wait3A_19, %dma_wait3A_20] : memref<4x2088x2048xf32, #tpu.memory_space<hbm>> -> memref<1x40x2048xf32, #tpu.memory_space<hbm>>
        %dma_wait3A_22 = tpu.memref_squeeze %dma_wait3A_21 : memref<1x40x2048xf32, #tpu.memory_space<hbm>> -> memref<40x2048xf32, #tpu.memory_space<hbm>>
        tpu.wait_dma2 semaphore(%run_scoped3A : memref<!tpu.dma_semaphore, #tpu.memory_space<semaphore_mem>>) src(%arg7 : memref<40x2048xf32, #tpu.memory_space<vmem>>) dst(%dma_wait3A_22 : memref<40x2048xf32, #tpu.memory_space<hbm>>)
        tpu.yield
      }) : () -> ()
    } else {
    }
    return
  }
}

module attributes {stable_mosaic.version = 14 : i64} {
  func.func @_bulk_body(%arg0: i32, %arg1: i32, %arg2: memref<1x512x2048xf32, #tpu.memory_space<vmem>>, %arg3: memref<64x2048xf32, #tpu.memory_space<vmem>>, %arg4: memref<1x512x2048xf32, #tpu.memory_space<vmem>>, %arg5: memref<4x64xf32, #tpu.memory_space<vmem>>, %arg6: memref<4x8xi32, #tpu.memory_space<vmem>>, %arg7: memref<4x40xi32, #tpu.memory_space<vmem>>, %arg8: memref<1x1xf32, #tpu.memory_space<vmem>>, %arg9: memref<4x1x2048xf32, #tpu.memory_space<vmem>>, %arg10: memref<40x2048xf32, #tpu.memory_space<vmem>>) attributes {dimension_semantics = [#tpu.dimension_semantics<arbitrary>, #tpu.dimension_semantics<arbitrary>], iteration_bounds = array<i64: 4, 5>, scalar_prefetch = 0 : i64, scratch_operands = 2 : i64, tpu.core_type = #tpu.core_type<tc>, window_params = [{transform_indices = @transform_0, window_bounds = array<i64: 1, 512, 2048>}, {pipeline_mode = #tpu.pipeline_mode<synchronous>, transform_indices = @transform_1, window_bounds = array<i64: 64, 2048>}, {transform_indices = @transform_2, window_bounds = array<i64: 1, 512, 2048>}, {pipeline_mode = #tpu.pipeline_mode<synchronous>, transform_indices = @transform_3, window_bounds = array<i64: 4, 64>}, {pipeline_mode = #tpu.pipeline_mode<synchronous>, transform_indices = @transform_4, window_bounds = array<i64: 4, 8>}, {pipeline_mode = #tpu.pipeline_mode<synchronous>, transform_indices = @transform_5, window_bounds = array<i64: 4, 40>}, {pipeline_mode = #tpu.pipeline_mode<synchronous>, transform_indices = @transform_6, window_bounds = array<i64: 1, 1>}]} {
    %lt3A = arith.constant 4 : i32
    %lt3A_0 = arith.cmpi slt, %arg1, %lt3A : i32
    %convert_element_type3A = arith.extui %lt3A_0 : i1 to i32
    %cond3A = arith.constant 0 : i32
    %cond3A_1 = arith.cmpi ne, %convert_element_type3A, %cond3A : i32
    scf.if %cond3A_1 {
      %get3A = arith.constant 0 : index
      %get3A_13 = arith.constant 0 : index
      %get3A_14 = arith.constant 0 : index
      %get3A_15 = vector.load %arg2[%get3A, %get3A_13, %get3A_14] : memref<1x512x2048xf32, #tpu.memory_space<vmem>>, vector<1x512x2048xf32>
      %get3A_16 = vector.shape_cast %get3A_15 : vector<1x512x2048xf32> to vector<512x2048xf32>
      %reduce_sum3A = arith.constant dense<0.000000e+00> : vector<2048xf32>
      %reduce_sum3A_17 = vector.multi_reduction <add>, %get3A_16, %reduce_sum3A [0] : vector<512x2048xf32> to vector<2048xf32>
      %broadcast_in_dim3A = vector.shape_cast %reduce_sum3A_17 : vector<2048xf32> to vector<1x1x2048xf32>
      %eq3A_18 = arith.constant 0 : i32
      %eq3A_19 = arith.cmpi eq, %arg0, %eq3A_18 : i32
      %eq3A_20 = arith.constant 0 : i32
      %eq3A_21 = arith.cmpi eq, %arg1, %eq3A_20 : i32
      %and3A_22 = arith.andi %eq3A_19, %eq3A_21 : i1
      %convert_element_type3A_23 = arith.extui %and3A_22 : i1 to i32
      %cond3A_24 = arith.constant 0 : i32
      %cond3A_25 = arith.cmpi ne, %convert_element_type3A_23, %cond3A_24 : i32
      scf.if %cond3A_25 {
        %swap3A_108 = arith.constant 0 : index
        %swap3A_109 = arith.constant 0 : index
        %swap3A_110 = arith.constant 0 : index
        %swap3A_111 = vector.load %arg9[%swap3A_108, %swap3A_109, %swap3A_110] : memref<4x1x2048xf32, #tpu.memory_space<vmem>>, vector<1x1x2048xf32>
        tpu.vector_store %arg9[%swap3A_108, %swap3A_109, %swap3A_110], %broadcast_in_dim3A {strides = array<i32>} : memref<4x1x2048xf32, #tpu.memory_space<vmem>>, vector<1x1x2048xf32>,
      } else {
      }
      %eq3A_26 = arith.constant 0 : i32
      %eq3A_27 = arith.cmpi eq, %arg0, %eq3A_26 : i32
      %gt3A = arith.constant 0 : i32
      %gt3A_28 = arith.cmpi sgt, %arg1, %gt3A : i32
      %and3A_29 = arith.andi %eq3A_27, %gt3A_28 : i1
      %convert_element_type3A_30 = arith.extui %and3A_29 : i1 to i32
      %cond3A_31 = arith.constant 0 : i32
      %cond3A_32 = arith.cmpi ne, %convert_element_type3A_30, %cond3A_31 : i32
      scf.if %cond3A_32 {
        %get3A_108 = arith.constant 0 : index
        %get3A_109 = arith.constant 0 : index
        %get3A_110 = arith.constant 0 : index
        %get3A_111 = vector.load %arg9[%get3A_108, %get3A_109, %get3A_110] : memref<4x1x2048xf32, #tpu.memory_space<vmem>>, vector<1x1x2048xf32>
        %add3A = arith.addf %get3A_111, %broadcast_in_dim3A : vector<1x1x2048xf32>
        %swap3A_112 = arith.constant 0 : index
        %swap3A_113 = arith.constant 0 : index
        %swap3A_114 = arith.constant 0 : index
        %swap3A_115 = vector.load %arg9[%swap3A_112, %swap3A_113, %swap3A_114] : memref<4x1x2048xf32, #tpu.memory_space<vmem>>, vector<1x1x2048xf32>
        tpu.vector_store %arg9[%swap3A_112, %swap3A_113, %swap3A_114], %add3A {strides = array<i32>} : memref<4x1x2048xf32, #tpu.memory_space<vmem>>, vector<1x1x2048xf32>,
      } else {
      }
      %eq3A_33 = arith.constant 1 : i32
      %eq3A_34 = arith.cmpi eq, %arg0, %eq3A_33 : i32
      %eq3A_35 = arith.constant 0 : i32
      %eq3A_36 = arith.cmpi eq, %arg1, %eq3A_35 : i32
      %and3A_37 = arith.andi %eq3A_34, %eq3A_36 : i1
      %convert_element_type3A_38 = arith.extui %and3A_37 : i1 to i32
      %cond3A_39 = arith.constant 0 : i32
      %cond3A_40 = arith.cmpi ne, %convert_element_type3A_38, %cond3A_39 : i32
      scf.if %cond3A_40 {
        %swap3A_108 = arith.constant 1 : index
        %swap3A_109 = arith.constant 0 : index
        %swap3A_110 = arith.constant 0 : index
        %swap3A_111 = vector.load %arg9[%swap3A_108, %swap3A_109, %swap3A_110] : memref<4x1x2048xf32, #tpu.memory_space<vmem>>, vector<1x1x2048xf32>
        tpu.vector_store %arg9[%swap3A_108, %swap3A_109, %swap3A_110], %broadcast_in_dim3A {strides = array<i32>} : memref<4x1x2048xf32, #tpu.memory_space<vmem>>, vector<1x1x2048xf32>,
      } else {
      }
      %eq3A_41 = arith.constant 1 : i32
      %eq3A_42 = arith.cmpi eq, %arg0, %eq3A_41 : i32
      %gt3A_43 = arith.constant 0 : i32
      %gt3A_44 = arith.cmpi sgt, %arg1, %gt3A_43 : i32
      %and3A_45 = arith.andi %eq3A_42, %gt3A_44 : i1
      %convert_element_type3A_46 = arith.extui %and3A_45 : i1 to i32
      %cond3A_47 = arith.constant 0 : i32
      %cond3A_48 = arith.cmpi ne, %convert_element_type3A_46, %cond3A_47 : i32
      scf.if %cond3A_48 {
        %get3A_108 = arith.constant 1 : index
        %get3A_109 = arith.constant 0 : index
        %get3A_110 = arith.constant 0 : index
        %get3A_111 = vector.load %arg9[%get3A_108, %get3A_109, %get3A_110] : memref<4x1x2048xf32, #tpu.memory_space<vmem>>, vector<1x1x2048xf32>
        %add3A = arith.addf %get3A_111, %broadcast_in_dim3A : vector<1x1x2048xf32>
        %swap3A_112 = arith.constant 1 : index
        %swap3A_113 = arith.constant 0 : index
        %swap3A_114 = arith.constant 0 : index
        %swap3A_115 = vector.load %arg9[%swap3A_112, %swap3A_113, %swap3A_114] : memref<4x1x2048xf32, #tpu.memory_space<vmem>>, vector<1x1x2048xf32>
        tpu.vector_store %arg9[%swap3A_112, %swap3A_113, %swap3A_114], %add3A {strides = array<i32>} : memref<4x1x2048xf32, #tpu.memory_space<vmem>>, vector<1x1x2048xf32>,
      } else {
      }
      %eq3A_49 = arith.constant 2 : i32
      %eq3A_50 = arith.cmpi eq, %arg0, %eq3A_49 : i32
      %eq3A_51 = arith.constant 0 : i32
      %eq3A_52 = arith.cmpi eq, %arg1, %eq3A_51 : i32
      %and3A_53 = arith.andi %eq3A_50, %eq3A_52 : i1
      %convert_element_type3A_54 = arith.extui %and3A_53 : i1 to i32
      %cond3A_55 = arith.constant 0 : i32
      %cond3A_56 = arith.cmpi ne, %convert_element_type3A_54, %cond3A_55 : i32
      scf.if %cond3A_56 {
        %swap3A_108 = arith.constant 2 : index
        %swap3A_109 = arith.constant 0 : index
        %swap3A_110 = arith.constant 0 : index
        %swap3A_111 = vector.load %arg9[%swap3A_108, %swap3A_109, %swap3A_110] : memref<4x1x2048xf32, #tpu.memory_space<vmem>>, vector<1x1x2048xf32>
        tpu.vector_store %arg9[%swap3A_108, %swap3A_109, %swap3A_110], %broadcast_in_dim3A {strides = array<i32>} : memref<4x1x2048xf32, #tpu.memory_space<vmem>>, vector<1x1x2048xf32>,
      } else {
      }
      %eq3A_57 = arith.constant 2 : i32
      %eq3A_58 = arith.cmpi eq, %arg0, %eq3A_57 : i32
      %gt3A_59 = arith.constant 0 : i32
      %gt3A_60 = arith.cmpi sgt, %arg1, %gt3A_59 : i32
      %and3A_61 = arith.andi %eq3A_58, %gt3A_60 : i1
      %convert_element_type3A_62 = arith.extui %and3A_61 : i1 to i32
      %cond3A_63 = arith.constant 0 : i32
      %cond3A_64 = arith.cmpi ne, %convert_element_type3A_62, %cond3A_63 : i32
      scf.if %cond3A_64 {
        %get3A_108 = arith.constant 2 : index
        %get3A_109 = arith.constant 0 : index
        %get3A_110 = arith.constant 0 : index
        %get3A_111 = vector.load %arg9[%get3A_108, %get3A_109, %get3A_110] : memref<4x1x2048xf32, #tpu.memory_space<vmem>>, vector<1x1x2048xf32>
        %add3A = arith.addf %get3A_111, %broadcast_in_dim3A : vector<1x1x2048xf32>
        %swap3A_112 = arith.constant 2 : index
        %swap3A_113 = arith.constant 0 : index
        %swap3A_114 = arith.constant 0 : index
        %swap3A_115 = vector.load %arg9[%swap3A_112, %swap3A_113, %swap3A_114] : memref<4x1x2048xf32, #tpu.memory_space<vmem>>, vector<1x1x2048xf32>
        tpu.vector_store %arg9[%swap3A_112, %swap3A_113, %swap3A_114], %add3A {strides = array<i32>} : memref<4x1x2048xf32, #tpu.memory_space<vmem>>, vector<1x1x2048xf32>,
      } else {
      }
      %eq3A_65 = arith.constant 3 : i32
      %eq3A_66 = arith.cmpi eq, %arg0, %eq3A_65 : i32
      %eq3A_67 = arith.constant 0 : i32
      %eq3A_68 = arith.cmpi eq, %arg1, %eq3A_67 : i32
      %and3A_69 = arith.andi %eq3A_66, %eq3A_68 : i1
      %convert_element_type3A_70 = arith.extui %and3A_69 : i1 to i32
      %cond3A_71 = arith.constant 0 : i32
      %cond3A_72 = arith.cmpi ne, %convert_element_type3A_70, %cond3A_71 : i32
      scf.if %cond3A_72 {
        %swap3A_108 = arith.constant 3 : index
        %swap3A_109 = arith.constant 0 : index
        %swap3A_110 = arith.constant 0 : index
        %swap3A_111 = vector.load %arg9[%swap3A_108, %swap3A_109, %swap3A_110] : memref<4x1x2048xf32, #tpu.memory_space<vmem>>, vector<1x1x2048xf32>
        tpu.vector_store %arg9[%swap3A_108, %swap3A_109, %swap3A_110], %broadcast_in_dim3A {strides = array<i32>} : memref<4x1x2048xf32, #tpu.memory_space<vmem>>, vector<1x1x2048xf32>,
      } else {
      }
      %eq3A_73 = arith.constant 3 : i32
      %eq3A_74 = arith.cmpi eq, %arg0, %eq3A_73 : i32
      %gt3A_75 = arith.constant 0 : i32
      %gt3A_76 = arith.cmpi sgt, %arg1, %gt3A_75 : i32
      %and3A_77 = arith.andi %eq3A_74, %gt3A_76 : i1
      %convert_element_type3A_78 = arith.extui %and3A_77 : i1 to i32
      %cond3A_79 = arith.constant 0 : i32
      %cond3A_80 = arith.cmpi ne, %convert_element_type3A_78, %cond3A_79 : i32
      scf.if %cond3A_80 {
        %get3A_108 = arith.constant 3 : index
        %get3A_109 = arith.constant 0 : index
        %get3A_110 = arith.constant 0 : index
        %get3A_111 = vector.load %arg9[%get3A_108, %get3A_109, %get3A_110] : memref<4x1x2048xf32, #tpu.memory_space<vmem>>, vector<1x1x2048xf32>
        %add3A = arith.addf %get3A_111, %broadcast_in_dim3A : vector<1x1x2048xf32>
        %swap3A_112 = arith.constant 3 : index
        %swap3A_113 = arith.constant 0 : index
        %swap3A_114 = arith.constant 0 : index
        %swap3A_115 = vector.load %arg9[%swap3A_112, %swap3A_113, %swap3A_114] : memref<4x1x2048xf32, #tpu.memory_space<vmem>>, vector<1x1x2048xf32>
        tpu.vector_store %arg9[%swap3A_112, %swap3A_113, %swap3A_114], %add3A {strides = array<i32>} : memref<4x1x2048xf32, #tpu.memory_space<vmem>>, vector<1x1x2048xf32>,
      } else {
      }
      %get3A_81 = arith.constant 0 : index
      %get3A_82 = arith.constant 0 : index
      %get3A_83 = vector.load %arg10[%get3A_81, %get3A_82] : memref<40x2048xf32, #tpu.memory_space<vmem>>, vector<40x2048xf32>
      %swap3A = arith.constant 0 : index
      %swap3A_84 = arith.constant 0 : index
      %swap3A_85 = arith.constant 0 : index
      %swap3A_86 = vector.load %arg4[%swap3A, %swap3A_84, %swap3A_85] : memref<1x512x2048xf32, #tpu.memory_space<vmem>>, vector<1x40x2048xf32>
      %swap3A_87 = vector.shape_cast %swap3A_86 : vector<1x40x2048xf32> to vector<40x2048xf32>
      %swap3A_88 = vector.shape_cast %get3A_83 : vector<40x2048xf32> to vector<1x40x2048xf32>
      tpu.vector_store %arg4[%swap3A, %swap3A_84, %swap3A_85], %swap3A_88 {strides = array<i32>} : memref<1x512x2048xf32, #tpu.memory_space<vmem>>, vector<1x40x2048xf32>,
      %get3A_89 = arith.constant 0 : index
      %get3A_90 = arith.constant 0 : index
      %get3A_91 = arith.constant 0 : index
      %get3A_92 = vector.load %arg2[%get3A_89, %get3A_90, %get3A_91] : memref<1x512x2048xf32, #tpu.memory_space<vmem>>, vector<1x472x2048xf32>
      %get3A_93 = vector.shape_cast %get3A_92 : vector<1x472x2048xf32> to vector<472x2048xf32>
      %swap3A_94 = arith.constant 0 : index
      %swap3A_95 = arith.constant 40 : index
      %swap3A_96 = arith.constant 0 : index
      %swap3A_97 = vector.load %arg4[%swap3A_94, %swap3A_95, %swap3A_96] : memref<1x512x2048xf32, #tpu.memory_space<vmem>>, vector<1x472x2048xf32>
      %swap3A_98 = vector.shape_cast %swap3A_97 : vector<1x472x2048xf32> to vector<472x2048xf32>
      %swap3A_99 = vector.shape_cast %get3A_93 : vector<472x2048xf32> to vector<1x472x2048xf32>
      tpu.vector_store %arg4[%swap3A_94, %swap3A_95, %swap3A_96], %swap3A_99 {strides = array<i32>} : memref<1x512x2048xf32, #tpu.memory_space<vmem>>, vector<1x472x2048xf32>,
      %get3A_100 = arith.constant 0 : index
      %get3A_101 = arith.constant 472 : index
      %get3A_102 = arith.constant 0 : index
      %get3A_103 = vector.load %arg2[%get3A_100, %get3A_101, %get3A_102] : memref<1x512x2048xf32, #tpu.memory_space<vmem>>, vector<1x40x2048xf32>
      %get3A_104 = vector.shape_cast %get3A_103 : vector<1x40x2048xf32> to vector<40x2048xf32>
      %swap3A_105 = arith.constant 0 : index
      %swap3A_106 = arith.constant 0 : index
      %swap3A_107 = vector.load %arg10[%swap3A_105, %swap3A_106] : memref<40x2048xf32, #tpu.memory_space<vmem>>, vector<40x2048xf32>
      tpu.vector_store %arg10[%swap3A_105, %swap3A_106], %get3A_104 {strides = array<i32>} : memref<40x2048xf32, #tpu.memory_space<vmem>>, vector<40x2048xf32>,
    } else {
    }
    %eq3A = arith.constant 4 : i32
    %eq3A_2 = arith.cmpi eq, %arg1, %eq3A : i32
    %convert_element_type3A_3 = arith.extui %eq3A_2 : i1 to i32
    %cond3A_4 = arith.constant 0 : i32
    %cond3A_5 = arith.cmpi ne, %convert_element_type3A_3, %cond3A_4 : i32
    scf.if %cond3A_5 {
      %get3A = arith.constant 0 : index
      %get3A_13 = arith.constant 0 : index
      %get3A_14 = vector.load %arg10[%get3A, %get3A_13] : memref<40x2048xf32, #tpu.memory_space<vmem>>, vector<40x2048xf32>
      %swap3A = arith.constant 0 : index
      %swap3A_15 = arith.constant 0 : index
      %swap3A_16 = arith.constant 0 : index
      %swap3A_17 = vector.load %arg4[%swap3A, %swap3A_15, %swap3A_16] : memref<1x512x2048xf32, #tpu.memory_space<vmem>>, vector<1x40x2048xf32>
      %swap3A_18 = vector.shape_cast %swap3A_17 : vector<1x40x2048xf32> to vector<40x2048xf32>
      %swap3A_19 = vector.shape_cast %get3A_14 : vector<40x2048xf32> to vector<1x40x2048xf32>
      tpu.vector_store %arg4[%swap3A, %swap3A_15, %swap3A_16], %swap3A_19 {strides = array<i32>} : memref<1x512x2048xf32, #tpu.memory_space<vmem>>, vector<1x40x2048xf32>,
    } else {
    }
    %eq3A_6 = arith.constant 3 : i32
    %eq3A_7 = arith.cmpi eq, %arg0, %eq3A_6 : i32
    %eq3A_8 = arith.constant 4 : i32
    %eq3A_9 = arith.cmpi eq, %arg1, %eq3A_8 : i32
    %and3A = arith.andi %eq3A_7, %eq3A_9 : i1
    %convert_element_type3A_10 = arith.extui %and3A : i1 to i32
    %cond3A_11 = arith.constant 0 : i32
    %cond3A_12 = arith.cmpi ne, %convert_element_type3A_10, %cond3A_11 : i32
    scf.if %cond3A_12 {
      %get3A = arith.constant 0 : index
      %get3A_13 = arith.constant 0 : index
      %get3A_14 = arith.constant 0 : index
      %get3A_15 = vector.load %arg9[%get3A, %get3A_13, %get3A_14] : memref<4x1x2048xf32, #tpu.memory_space<vmem>>, vector<4x1x2048xf32>
      %get3A_16 = vector.shape_cast %get3A_15 : vector<4x1x2048xf32> to vector<4x2048xf32>
      %get3A_17 = arith.constant 0 : index
      %get3A_18 = arith.constant 0 : index
      %get3A_19 = vector.load %arg3[%get3A_17, %get3A_18] : memref<64x2048xf32, #tpu.memory_space<vmem>>, vector<64x2048xf32>
      %mul3A = arith.constant 4.8828125E-4 : f32
      %mul3A_20 = vector.broadcast %mul3A : f32 to vector<4x2048xf32>
      %mul3A_21 = arith.mulf %get3A_16, %mul3A_20 : vector<4x2048xf32>
      %mul3A_22 = arith.mulf %mul3A_21, %mul3A_21 : vector<4x2048xf32>
      %reduce_sum3A = arith.constant dense<0.000000e+00> : vector<4xf32>
      %reduce_sum3A_23 = vector.multi_reduction <add>, %mul3A_22, %reduce_sum3A [1] : vector<4x2048xf32> to vector<4xf32>
      %broadcast_in_dim3A = vector.shape_cast %reduce_sum3A_23 : vector<4xf32> to vector<4x1xf32>
      %max3A = arith.constant 9.99999996E-13 : f32
      %max3A_24 = vector.broadcast %max3A : f32 to vector<4x1xf32>
      %max3A_25 = arith.maximumf %broadcast_in_dim3A, %max3A_24 : vector<4x1xf32>
      %rsqrt3A = math.rsqrt %max3A_25 : vector<4x1xf32>
      %mul3A_26 = vector.broadcast %rsqrt3A : vector<4x1xf32> to vector<4x2048xf32>
      %mul3A_27 = arith.mulf %mul3A_21, %mul3A_26 : vector<4x2048xf32>
      %mul3A_28 = arith.mulf %get3A_19, %get3A_19 : vector<64x2048xf32>
      %reduce_sum3A_29 = arith.constant dense<0.000000e+00> : vector<64xf32>
      %reduce_sum3A_30 = vector.multi_reduction <add>, %mul3A_28, %reduce_sum3A_29 [1] : vector<64x2048xf32> to vector<64xf32>
      %broadcast_in_dim3A_31 = vector.shape_cast %reduce_sum3A_30 : vector<64xf32> to vector<64x1xf32>
      %max3A_32 = arith.constant 9.99999996E-13 : f32
      %max3A_33 = vector.broadcast %max3A_32 : f32 to vector<64x1xf32>
      %max3A_34 = arith.maximumf %broadcast_in_dim3A_31, %max3A_33 : vector<64x1xf32>
      %rsqrt3A_35 = math.rsqrt %max3A_34 : vector<64x1xf32>
      %mul3A_36 = vector.broadcast %rsqrt3A_35 : vector<64x1xf32> to vector<64x2048xf32>
      %mul3A_37 = arith.mulf %get3A_19, %mul3A_36 : vector<64x2048xf32>
      %dot_general3A = arith.constant dense<0.000000e+00> : vector<4x64xf32>
      %dot_general3A_38 = tpu.matmul %mul3A_27, %mul3A_37, %dot_general3A {dimension_numbers = #tpu.dot_dimension_numbers<[1], [1], [0], [0], [0, 0, 1, 0], [], []>, transpose_lhs_hint = false} : vector<4x2048xf32>, vector<64x2048xf32>, vector<4x64xf32> -> vector<4x64xf32>
      %swap3A = arith.constant 0 : index
      %swap3A_39 = arith.constant 0 : index
      %swap3A_40 = vector.load %arg5[%swap3A, %swap3A_39] : memref<4x64xf32, #tpu.memory_space<vmem>>, vector<4x64xf32>
      tpu.vector_store %arg5[%swap3A, %swap3A_39], %dot_general3A_38 {strides = array<i32>} : memref<4x64xf32, #tpu.memory_space<vmem>>, vector<4x64xf32>,
      %iota3A = tpu.iota {dimensions = array<i32: 1>} : vector<4x64xi32>
      %iota3A_41 = tpu.iota {dimensions = array<i32: 1>} : vector<4x5xi32>
      %reduce_max3A = arith.constant dense<0xFF800000> : vector<4xf32>
      %reduce_max3A_42 = vector.multi_reduction <maximumf>, %dot_general3A_38, %reduce_max3A [1] : vector<4x64xf32> to vector<4xf32>
      %broadcast_in_dim3A_43 = vector.shape_cast %reduce_max3A_42 : vector<4xf32> to vector<4x1xf32>
      %reduce_sum3A_44 = vector.shape_cast %broadcast_in_dim3A_43 : vector<4x1xf32> to vector<1x4x1xf32>
      %reduce_sum3A_45 = arith.constant dense<0.000000e+00> : vector<1xf32>
      %reduce_sum3A_46 = vector.multi_reduction <add>, %reduce_sum3A_44, %reduce_sum3A_45 [1, 2] : vector<1x4x1xf32> to vector<1xf32>
      %reduce_sum3A_47 = vector.shape_cast %reduce_sum3A_46 : vector<1xf32> to vector<1x1x1xf32>
      %reduce_sum3A_48 = vector.extract %reduce_sum3A_47[0, 0, 0] : f32 from vector<1x1x1xf32>
      %add3A = arith.constant 0.000000e+00 : f32
      %add3A_49 = arith.addf %add3A, %reduce_sum3A_48 : f32
      %eq3A_50 = vector.broadcast %broadcast_in_dim3A_43 : vector<4x1xf32> to vector<4x64xf32>
      %eq3A_51 = arith.cmpf oeq, %dot_general3A_38, %eq3A_50 : vector<4x64xf32>
      %jit3A = arith.constant 64 : i32
      %broadcast_in_dim3A_52 = vector.broadcast %jit3A : i32 to vector<4x64xi32>
      %select_n3A = arith.select %eq3A_51, %iota3A, %broadcast_in_dim3A_52 : vector<4x64xi1>, vector<4x64xi32>
      %reduce_min3A = arith.constant dense<2147483647> : vector<4xi32>
      %reduce_min3A_53 = vector.multi_reduction <minsi>, %select_n3A, %reduce_min3A [1] : vector<4x64xi32> to vector<4xi32>
      %broadcast_in_dim3A_54 = vector.shape_cast %reduce_min3A_53 : vector<4xi32> to vector<4x1xi32>
      %swap3A_55 = arith.constant 0 : index
      %swap3A_56 = arith.constant 0 : index
      %swap3A_57 = vector.load %arg6[%swap3A_55, %swap3A_56] : memref<4x8xi32, #tpu.memory_space<vmem>>, vector<4x1xi32>
      tpu.vector_store %arg6[%swap3A_55, %swap3A_56], %broadcast_in_dim3A_54 {strides = array<i32>} : memref<4x8xi32, #tpu.memory_space<vmem>>, vector<4x1xi32>,
      %broadcast_in_dim3A_58 = vector.shape_cast %reduce_min3A_53 : vector<4xi32> to vector<4x1xi32>
      %mul3A_59 = arith.constant 5 : i32
      %mul3A_60 = vector.broadcast %mul3A_59 : i32 to vector<4x1xi32>
      %mul3A_61 = arith.muli %broadcast_in_dim3A_58, %mul3A_60 : vector<4x1xi32>
      %add3A_62 = vector.broadcast %mul3A_61 : vector<4x1xi32> to vector<4x5xi32>
      %add3A_63 = arith.addi %add3A_62, %iota3A_41 : vector<4x5xi32>
      %swap3A_64 = arith.constant 0 : index
      %swap3A_65 = arith.constant 0 : index
      %swap3A_66 = vector.load %arg7[%swap3A_64, %swap3A_65] : memref<4x40xi32, #tpu.memory_space<vmem>>, vector<4x5xi32>
      tpu.vector_store %arg7[%swap3A_64, %swap3A_65], %add3A_63 {strides = array<i32>} : memref<4x40xi32, #tpu.memory_space<vmem>>, vector<4x5xi32>,
      %broadcast_in_dim3A_67 = vector.shape_cast %reduce_min3A_53 : vector<4xi32> to vector<4x1xi32>
      %eq3A_68 = vector.broadcast %broadcast_in_dim3A_67 : vector<4x1xi32> to vector<4x64xi32>
      %eq3A_69 = arith.cmpi eq, %iota3A, %eq3A_68 : vector<4x64xi32>
      %jit3A_70 = arith.constant 0xFF800000 : f32
      %broadcast_in_dim3A_71 = vector.broadcast %jit3A_70 : f32 to vector<4x64xf32>
      %select_n3A_72 = arith.select %eq3A_69, %broadcast_in_dim3A_71, %dot_general3A_38 : vector<4x64xi1>, vector<4x64xf32>
      %reduce_max3A_73 = arith.constant dense<0xFF800000> : vector<4xf32>
      %reduce_max3A_74 = vector.multi_reduction <maximumf>, %select_n3A_72, %reduce_max3A_73 [1] : vector<4x64xf32> to vector<4xf32>
      %broadcast_in_dim3A_75 = vector.shape_cast %reduce_max3A_74 : vector<4xf32> to vector<4x1xf32>
      %reduce_sum3A_76 = vector.shape_cast %broadcast_in_dim3A_75 : vector<4x1xf32> to vector<1x4x1xf32>
      %reduce_sum3A_77 = arith.constant dense<0.000000e+00> : vector<1xf32>
      %reduce_sum3A_78 = vector.multi_reduction <add>, %reduce_sum3A_76, %reduce_sum3A_77 [1, 2] : vector<1x4x1xf32> to vector<1xf32>
      %reduce_sum3A_79 = vector.shape_cast %reduce_sum3A_78 : vector<1xf32> to vector<1x1x1xf32>
      %reduce_sum3A_80 = vector.extract %reduce_sum3A_79[0, 0, 0] : f32 from vector<1x1x1xf32>
      %add3A_81 = arith.addf %add3A_49, %reduce_sum3A_80 : f32
      %eq3A_82 = vector.broadcast %broadcast_in_dim3A_75 : vector<4x1xf32> to vector<4x64xf32>
      %eq3A_83 = arith.cmpf oeq, %select_n3A_72, %eq3A_82 : vector<4x64xf32>
      %jit3A_84 = arith.constant 64 : i32
      %broadcast_in_dim3A_85 = vector.broadcast %jit3A_84 : i32 to vector<4x64xi32>
      %select_n3A_86 = arith.select %eq3A_83, %iota3A, %broadcast_in_dim3A_85 : vector<4x64xi1>, vector<4x64xi32>
      %reduce_min3A_87 = arith.constant dense<2147483647> : vector<4xi32>
      %reduce_min3A_88 = vector.multi_reduction <minsi>, %select_n3A_86, %reduce_min3A_87 [1] : vector<4x64xi32> to vector<4xi32>
      %broadcast_in_dim3A_89 = vector.shape_cast %reduce_min3A_88 : vector<4xi32> to vector<4x1xi32>
      %swap3A_90 = arith.constant 0 : index
      %swap3A_91 = arith.constant 1 : index
      %swap3A_92 = vector.load %arg6[%swap3A_90, %swap3A_91] : memref<4x8xi32, #tpu.memory_space<vmem>>, vector<4x1xi32>
      tpu.vector_store %arg6[%swap3A_90, %swap3A_91], %broadcast_in_dim3A_89 {strides = array<i32>} : memref<4x8xi32, #tpu.memory_space<vmem>>, vector<4x1xi32>,
      %broadcast_in_dim3A_93 = vector.shape_cast %reduce_min3A_88 : vector<4xi32> to vector<4x1xi32>
      %mul3A_94 = arith.constant 5 : i32
      %mul3A_95 = vector.broadcast %mul3A_94 : i32 to vector<4x1xi32>
      %mul3A_96 = arith.muli %broadcast_in_dim3A_93, %mul3A_95 : vector<4x1xi32>
      %add3A_97 = vector.broadcast %mul3A_96 : vector<4x1xi32> to vector<4x5xi32>
      %add3A_98 = arith.addi %add3A_97, %iota3A_41 : vector<4x5xi32>
      %swap3A_99 = arith.constant 0 : index
      %swap3A_100 = arith.constant 5 : index
      %swap3A_101 = vector.load %arg7[%swap3A_99, %swap3A_100] : memref<4x40xi32, #tpu.memory_space<vmem>>, vector<4x5xi32>
      tpu.vector_store %arg7[%swap3A_99, %swap3A_100], %add3A_98 {strides = array<i32>} : memref<4x40xi32, #tpu.memory_space<vmem>>, vector<4x5xi32>,
      %broadcast_in_dim3A_102 = vector.shape_cast %reduce_min3A_88 : vector<4xi32> to vector<4x1xi32>
      %eq3A_103 = vector.broadcast %broadcast_in_dim3A_102 : vector<4x1xi32> to vector<4x64xi32>
      %eq3A_104 = arith.cmpi eq, %iota3A, %eq3A_103 : vector<4x64xi32>
      %jit3A_105 = arith.constant 0xFF800000 : f32
      %broadcast_in_dim3A_106 = vector.broadcast %jit3A_105 : f32 to vector<4x64xf32>
      %select_n3A_107 = arith.select %eq3A_104, %broadcast_in_dim3A_106, %select_n3A_72 : vector<4x64xi1>, vector<4x64xf32>
      %reduce_max3A_108 = arith.constant dense<0xFF800000> : vector<4xf32>
      %reduce_max3A_109 = vector.multi_reduction <maximumf>, %select_n3A_107, %reduce_max3A_108 [1] : vector<4x64xf32> to vector<4xf32>
      %broadcast_in_dim3A_110 = vector.shape_cast %reduce_max3A_109 : vector<4xf32> to vector<4x1xf32>
      %reduce_sum3A_111 = vector.shape_cast %broadcast_in_dim3A_110 : vector<4x1xf32> to vector<1x4x1xf32>
      %reduce_sum3A_112 = arith.constant dense<0.000000e+00> : vector<1xf32>
      %reduce_sum3A_113 = vector.multi_reduction <add>, %reduce_sum3A_111, %reduce_sum3A_112 [1, 2] : vector<1x4x1xf32> to vector<1xf32>
      %reduce_sum3A_114 = vector.shape_cast %reduce_sum3A_113 : vector<1xf32> to vector<1x1x1xf32>
      %reduce_sum3A_115 = vector.extract %reduce_sum3A_114[0, 0, 0] : f32 from vector<1x1x1xf32>
      %add3A_116 = arith.addf %add3A_81, %reduce_sum3A_115 : f32
      %eq3A_117 = vector.broadcast %broadcast_in_dim3A_110 : vector<4x1xf32> to vector<4x64xf32>
      %eq3A_118 = arith.cmpf oeq, %select_n3A_107, %eq3A_117 : vector<4x64xf32>
      %jit3A_119 = arith.constant 64 : i32
      %broadcast_in_dim3A_120 = vector.broadcast %jit3A_119 : i32 to vector<4x64xi32>
      %select_n3A_121 = arith.select %eq3A_118, %iota3A, %broadcast_in_dim3A_120 : vector<4x64xi1>, vector<4x64xi32>
      %reduce_min3A_122 = arith.constant dense<2147483647> : vector<4xi32>
      %reduce_min3A_123 = vector.multi_reduction <minsi>, %select_n3A_121, %reduce_min3A_122 [1] : vector<4x64xi32> to vector<4xi32>
      %broadcast_in_dim3A_124 = vector.shape_cast %reduce_min3A_123 : vector<4xi32> to vector<4x1xi32>
      %swap3A_125 = arith.constant 0 : index
      %swap3A_126 = arith.constant 2 : index
      %swap3A_127 = vector.load %arg6[%swap3A_125, %swap3A_126] : memref<4x8xi32, #tpu.memory_space<vmem>>, vector<4x1xi32>
      tpu.vector_store %arg6[%swap3A_125, %swap3A_126], %broadcast_in_dim3A_124 {strides = array<i32>} : memref<4x8xi32, #tpu.memory_space<vmem>>, vector<4x1xi32>,
      %broadcast_in_dim3A_128 = vector.shape_cast %reduce_min3A_123 : vector<4xi32> to vector<4x1xi32>
      %mul3A_129 = arith.constant 5 : i32
      %mul3A_130 = vector.broadcast %mul3A_129 : i32 to vector<4x1xi32>
      %mul3A_131 = arith.muli %broadcast_in_dim3A_128, %mul3A_130 : vector<4x1xi32>
      %add3A_132 = vector.broadcast %mul3A_131 : vector<4x1xi32> to vector<4x5xi32>
      %add3A_133 = arith.addi %add3A_132, %iota3A_41 : vector<4x5xi32>
      %swap3A_134 = arith.constant 0 : index
      %swap3A_135 = arith.constant 10 : index
      %swap3A_136 = vector.load %arg7[%swap3A_134, %swap3A_135] : memref<4x40xi32, #tpu.memory_space<vmem>>, vector<4x5xi32>
      tpu.vector_store %arg7[%swap3A_134, %swap3A_135], %add3A_133 {strides = array<i32>} : memref<4x40xi32, #tpu.memory_space<vmem>>, vector<4x5xi32>,
      %broadcast_in_dim3A_137 = vector.shape_cast %reduce_min3A_123 : vector<4xi32> to vector<4x1xi32>
      %eq3A_138 = vector.broadcast %broadcast_in_dim3A_137 : vector<4x1xi32> to vector<4x64xi32>
      %eq3A_139 = arith.cmpi eq, %iota3A, %eq3A_138 : vector<4x64xi32>
      %jit3A_140 = arith.constant 0xFF800000 : f32
      %broadcast_in_dim3A_141 = vector.broadcast %jit3A_140 : f32 to vector<4x64xf32>
      %select_n3A_142 = arith.select %eq3A_139, %broadcast_in_dim3A_141, %select_n3A_107 : vector<4x64xi1>, vector<4x64xf32>
      %reduce_max3A_143 = arith.constant dense<0xFF800000> : vector<4xf32>
      %reduce_max3A_144 = vector.multi_reduction <maximumf>, %select_n3A_142, %reduce_max3A_143 [1] : vector<4x64xf32> to vector<4xf32>
      %broadcast_in_dim3A_145 = vector.shape_cast %reduce_max3A_144 : vector<4xf32> to vector<4x1xf32>
      %reduce_sum3A_146 = vector.shape_cast %broadcast_in_dim3A_145 : vector<4x1xf32> to vector<1x4x1xf32>
      %reduce_sum3A_147 = arith.constant dense<0.000000e+00> : vector<1xf32>
      %reduce_sum3A_148 = vector.multi_reduction <add>, %reduce_sum3A_146, %reduce_sum3A_147 [1, 2] : vector<1x4x1xf32> to vector<1xf32>
      %reduce_sum3A_149 = vector.shape_cast %reduce_sum3A_148 : vector<1xf32> to vector<1x1x1xf32>
      %reduce_sum3A_150 = vector.extract %reduce_sum3A_149[0, 0, 0] : f32 from vector<1x1x1xf32>
      %add3A_151 = arith.addf %add3A_116, %reduce_sum3A_150 : f32
      %eq3A_152 = vector.broadcast %broadcast_in_dim3A_145 : vector<4x1xf32> to vector<4x64xf32>
      %eq3A_153 = arith.cmpf oeq, %select_n3A_142, %eq3A_152 : vector<4x64xf32>
      %jit3A_154 = arith.constant 64 : i32
      %broadcast_in_dim3A_155 = vector.broadcast %jit3A_154 : i32 to vector<4x64xi32>
      %select_n3A_156 = arith.select %eq3A_153, %iota3A, %broadcast_in_dim3A_155 : vector<4x64xi1>, vector<4x64xi32>
      %reduce_min3A_157 = arith.constant dense<2147483647> : vector<4xi32>
      %reduce_min3A_158 = vector.multi_reduction <minsi>, %select_n3A_156, %reduce_min3A_157 [1] : vector<4x64xi32> to vector<4xi32>
      %broadcast_in_dim3A_159 = vector.shape_cast %reduce_min3A_158 : vector<4xi32> to vector<4x1xi32>
      %swap3A_160 = arith.constant 0 : index
      %swap3A_161 = arith.constant 3 : index
      %swap3A_162 = vector.load %arg6[%swap3A_160, %swap3A_161] : memref<4x8xi32, #tpu.memory_space<vmem>>, vector<4x1xi32>
      tpu.vector_store %arg6[%swap3A_160, %swap3A_161], %broadcast_in_dim3A_159 {strides = array<i32>} : memref<4x8xi32, #tpu.memory_space<vmem>>, vector<4x1xi32>,
      %broadcast_in_dim3A_163 = vector.shape_cast %reduce_min3A_158 : vector<4xi32> to vector<4x1xi32>
      %mul3A_164 = arith.constant 5 : i32
      %mul3A_165 = vector.broadcast %mul3A_164 : i32 to vector<4x1xi32>
      %mul3A_166 = arith.muli %broadcast_in_dim3A_163, %mul3A_165 : vector<4x1xi32>
      %add3A_167 = vector.broadcast %mul3A_166 : vector<4x1xi32> to vector<4x5xi32>
      %add3A_168 = arith.addi %add3A_167, %iota3A_41 : vector<4x5xi32>
      %swap3A_169 = arith.constant 0 : index
      %swap3A_170 = arith.constant 15 : index
      %swap3A_171 = vector.load %arg7[%swap3A_169, %swap3A_170] : memref<4x40xi32, #tpu.memory_space<vmem>>, vector<4x5xi32>
      tpu.vector_store %arg7[%swap3A_169, %swap3A_170], %add3A_168 {strides = array<i32>} : memref<4x40xi32, #tpu.memory_space<vmem>>, vector<4x5xi32>,
      %broadcast_in_dim3A_172 = vector.shape_cast %reduce_min3A_158 : vector<4xi32> to vector<4x1xi32>
      %eq3A_173 = vector.broadcast %broadcast_in_dim3A_172 : vector<4x1xi32> to vector<4x64xi32>
      %eq3A_174 = arith.cmpi eq, %iota3A, %eq3A_173 : vector<4x64xi32>
      %jit3A_175 = arith.constant 0xFF800000 : f32
      %broadcast_in_dim3A_176 = vector.broadcast %jit3A_175 : f32 to vector<4x64xf32>
      %select_n3A_177 = arith.select %eq3A_174, %broadcast_in_dim3A_176, %select_n3A_142 : vector<4x64xi1>, vector<4x64xf32>
      %reduce_max3A_178 = arith.constant dense<0xFF800000> : vector<4xf32>
      %reduce_max3A_179 = vector.multi_reduction <maximumf>, %select_n3A_177, %reduce_max3A_178 [1] : vector<4x64xf32> to vector<4xf32>
      %broadcast_in_dim3A_180 = vector.shape_cast %reduce_max3A_179 : vector<4xf32> to vector<4x1xf32>
      %reduce_sum3A_181 = vector.shape_cast %broadcast_in_dim3A_180 : vector<4x1xf32> to vector<1x4x1xf32>
      %reduce_sum3A_182 = arith.constant dense<0.000000e+00> : vector<1xf32>
      %reduce_sum3A_183 = vector.multi_reduction <add>, %reduce_sum3A_181, %reduce_sum3A_182 [1, 2] : vector<1x4x1xf32> to vector<1xf32>
      %reduce_sum3A_184 = vector.shape_cast %reduce_sum3A_183 : vector<1xf32> to vector<1x1x1xf32>
      %reduce_sum3A_185 = vector.extract %reduce_sum3A_184[0, 0, 0] : f32 from vector<1x1x1xf32>
      %add3A_186 = arith.addf %add3A_151, %reduce_sum3A_185 : f32
      %eq3A_187 = vector.broadcast %broadcast_in_dim3A_180 : vector<4x1xf32> to vector<4x64xf32>
      %eq3A_188 = arith.cmpf oeq, %select_n3A_177, %eq3A_187 : vector<4x64xf32>
      %jit3A_189 = arith.constant 64 : i32
      %broadcast_in_dim3A_190 = vector.broadcast %jit3A_189 : i32 to vector<4x64xi32>
      %select_n3A_191 = arith.select %eq3A_188, %iota3A, %broadcast_in_dim3A_190 : vector<4x64xi1>, vector<4x64xi32>
      %reduce_min3A_192 = arith.constant dense<2147483647> : vector<4xi32>
      %reduce_min3A_193 = vector.multi_reduction <minsi>, %select_n3A_191, %reduce_min3A_192 [1] : vector<4x64xi32> to vector<4xi32>
      %broadcast_in_dim3A_194 = vector.shape_cast %reduce_min3A_193 : vector<4xi32> to vector<4x1xi32>
      %swap3A_195 = arith.constant 0 : index
      %swap3A_196 = arith.constant 4 : index
      %swap3A_197 = vector.load %arg6[%swap3A_195, %swap3A_196] : memref<4x8xi32, #tpu.memory_space<vmem>>, vector<4x1xi32>
      tpu.vector_store %arg6[%swap3A_195, %swap3A_196], %broadcast_in_dim3A_194 {strides = array<i32>} : memref<4x8xi32, #tpu.memory_space<vmem>>, vector<4x1xi32>,
      %broadcast_in_dim3A_198 = vector.shape_cast %reduce_min3A_193 : vector<4xi32> to vector<4x1xi32>
      %mul3A_199 = arith.constant 5 : i32
      %mul3A_200 = vector.broadcast %mul3A_199 : i32 to vector<4x1xi32>
      %mul3A_201 = arith.muli %broadcast_in_dim3A_198, %mul3A_200 : vector<4x1xi32>
      %add3A_202 = vector.broadcast %mul3A_201 : vector<4x1xi32> to vector<4x5xi32>
      %add3A_203 = arith.addi %add3A_202, %iota3A_41 : vector<4x5xi32>
      %swap3A_204 = arith.constant 0 : index
      %swap3A_205 = arith.constant 20 : index
      %swap3A_206 = vector.load %arg7[%swap3A_204, %swap3A_205] : memref<4x40xi32, #tpu.memory_space<vmem>>, vector<4x5xi32>
      tpu.vector_store %arg7[%swap3A_204, %swap3A_205], %add3A_203 {strides = array<i32>} : memref<4x40xi32, #tpu.memory_space<vmem>>, vector<4x5xi32>,
      %broadcast_in_dim3A_207 = vector.shape_cast %reduce_min3A_193 : vector<4xi32> to vector<4x1xi32>
      %eq3A_208 = vector.broadcast %broadcast_in_dim3A_207 : vector<4x1xi32> to vector<4x64xi32>
      %eq3A_209 = arith.cmpi eq, %iota3A, %eq3A_208 : vector<4x64xi32>
      %jit3A_210 = arith.constant 0xFF800000 : f32
      %broadcast_in_dim3A_211 = vector.broadcast %jit3A_210 : f32 to vector<4x64xf32>
      %select_n3A_212 = arith.select %eq3A_209, %broadcast_in_dim3A_211, %select_n3A_177 : vector<4x64xi1>, vector<4x64xf32>
      %reduce_max3A_213 = arith.constant dense<0xFF800000> : vector<4xf32>
      %reduce_max3A_214 = vector.multi_reduction <maximumf>, %select_n3A_212, %reduce_max3A_213 [1] : vector<4x64xf32> to vector<4xf32>
      %broadcast_in_dim3A_215 = vector.shape_cast %reduce_max3A_214 : vector<4xf32> to vector<4x1xf32>
      %reduce_sum3A_216 = vector.shape_cast %broadcast_in_dim3A_215 : vector<4x1xf32> to vector<1x4x1xf32>
      %reduce_sum3A_217 = arith.constant dense<0.000000e+00> : vector<1xf32>
      %reduce_sum3A_218 = vector.multi_reduction <add>, %reduce_sum3A_216, %reduce_sum3A_217 [1, 2] : vector<1x4x1xf32> to vector<1xf32>
      %reduce_sum3A_219 = vector.shape_cast %reduce_sum3A_218 : vector<1xf32> to vector<1x1x1xf32>
      %reduce_sum3A_220 = vector.extract %reduce_sum3A_219[0, 0, 0] : f32 from vector<1x1x1xf32>
      %add3A_221 = arith.addf %add3A_186, %reduce_sum3A_220 : f32
      %eq3A_222 = vector.broadcast %broadcast_in_dim3A_215 : vector<4x1xf32> to vector<4x64xf32>
      %eq3A_223 = arith.cmpf oeq, %select_n3A_212, %eq3A_222 : vector<4x64xf32>
      %jit3A_224 = arith.constant 64 : i32
      %broadcast_in_dim3A_225 = vector.broadcast %jit3A_224 : i32 to vector<4x64xi32>
      %select_n3A_226 = arith.select %eq3A_223, %iota3A, %broadcast_in_dim3A_225 : vector<4x64xi1>, vector<4x64xi32>
      %reduce_min3A_227 = arith.constant dense<2147483647> : vector<4xi32>
      %reduce_min3A_228 = vector.multi_reduction <minsi>, %select_n3A_226, %reduce_min3A_227 [1] : vector<4x64xi32> to vector<4xi32>
      %broadcast_in_dim3A_229 = vector.shape_cast %reduce_min3A_228 : vector<4xi32> to vector<4x1xi32>
      %swap3A_230 = arith.constant 0 : index
      %swap3A_231 = arith.constant 5 : index
      %swap3A_232 = vector.load %arg6[%swap3A_230, %swap3A_231] : memref<4x8xi32, #tpu.memory_space<vmem>>, vector<4x1xi32>
      tpu.vector_store %arg6[%swap3A_230, %swap3A_231], %broadcast_in_dim3A_229 {strides = array<i32>} : memref<4x8xi32, #tpu.memory_space<vmem>>, vector<4x1xi32>,
      %broadcast_in_dim3A_233 = vector.shape_cast %reduce_min3A_228 : vector<4xi32> to vector<4x1xi32>
      %mul3A_234 = arith.constant 5 : i32
      %mul3A_235 = vector.broadcast %mul3A_234 : i32 to vector<4x1xi32>
      %mul3A_236 = arith.muli %broadcast_in_dim3A_233, %mul3A_235 : vector<4x1xi32>
      %add3A_237 = vector.broadcast %mul3A_236 : vector<4x1xi32> to vector<4x5xi32>
      %add3A_238 = arith.addi %add3A_237, %iota3A_41 : vector<4x5xi32>
      %swap3A_239 = arith.constant 0 : index
      %swap3A_240 = arith.constant 25 : index
      %swap3A_241 = vector.load %arg7[%swap3A_239, %swap3A_240] : memref<4x40xi32, #tpu.memory_space<vmem>>, vector<4x5xi32>
      tpu.vector_store %arg7[%swap3A_239, %swap3A_240], %add3A_238 {strides = array<i32>} : memref<4x40xi32, #tpu.memory_space<vmem>>, vector<4x5xi32>,
      %broadcast_in_dim3A_242 = vector.shape_cast %reduce_min3A_228 : vector<4xi32> to vector<4x1xi32>
      %eq3A_243 = vector.broadcast %broadcast_in_dim3A_242 : vector<4x1xi32> to vector<4x64xi32>
      %eq3A_244 = arith.cmpi eq, %iota3A, %eq3A_243 : vector<4x64xi32>
      %jit3A_245 = arith.constant 0xFF800000 : f32
      %broadcast_in_dim3A_246 = vector.broadcast %jit3A_245 : f32 to vector<4x64xf32>
      %select_n3A_247 = arith.select %eq3A_244, %broadcast_in_dim3A_246, %select_n3A_212 : vector<4x64xi1>, vector<4x64xf32>
      %reduce_max3A_248 = arith.constant dense<0xFF800000> : vector<4xf32>
      %reduce_max3A_249 = vector.multi_reduction <maximumf>, %select_n3A_247, %reduce_max3A_248 [1] : vector<4x64xf32> to vector<4xf32>
      %broadcast_in_dim3A_250 = vector.shape_cast %reduce_max3A_249 : vector<4xf32> to vector<4x1xf32>
      %reduce_sum3A_251 = vector.shape_cast %broadcast_in_dim3A_250 : vector<4x1xf32> to vector<1x4x1xf32>
      %reduce_sum3A_252 = arith.constant dense<0.000000e+00> : vector<1xf32>
      %reduce_sum3A_253 = vector.multi_reduction <add>, %reduce_sum3A_251, %reduce_sum3A_252 [1, 2] : vector<1x4x1xf32> to vector<1xf32>
      %reduce_sum3A_254 = vector.shape_cast %reduce_sum3A_253 : vector<1xf32> to vector<1x1x1xf32>
      %reduce_sum3A_255 = vector.extract %reduce_sum3A_254[0, 0, 0] : f32 from vector<1x1x1xf32>
      %add3A_256 = arith.addf %add3A_221, %reduce_sum3A_255 : f32
      %eq3A_257 = vector.broadcast %broadcast_in_dim3A_250 : vector<4x1xf32> to vector<4x64xf32>
      %eq3A_258 = arith.cmpf oeq, %select_n3A_247, %eq3A_257 : vector<4x64xf32>
      %jit3A_259 = arith.constant 64 : i32
      %broadcast_in_dim3A_260 = vector.broadcast %jit3A_259 : i32 to vector<4x64xi32>
      %select_n3A_261 = arith.select %eq3A_258, %iota3A, %broadcast_in_dim3A_260 : vector<4x64xi1>, vector<4x64xi32>
      %reduce_min3A_262 = arith.constant dense<2147483647> : vector<4xi32>
      %reduce_min3A_263 = vector.multi_reduction <minsi>, %select_n3A_261, %reduce_min3A_262 [1] : vector<4x64xi32> to vector<4xi32>
      %broadcast_in_dim3A_264 = vector.shape_cast %reduce_min3A_263 : vector<4xi32> to vector<4x1xi32>
      %swap3A_265 = arith.constant 0 : index
      %swap3A_266 = arith.constant 6 : index
      %swap3A_267 = vector.load %arg6[%swap3A_265, %swap3A_266] : memref<4x8xi32, #tpu.memory_space<vmem>>, vector<4x1xi32>
      tpu.vector_store %arg6[%swap3A_265, %swap3A_266], %broadcast_in_dim3A_264 {strides = array<i32>} : memref<4x8xi32, #tpu.memory_space<vmem>>, vector<4x1xi32>,
      %broadcast_in_dim3A_268 = vector.shape_cast %reduce_min3A_263 : vector<4xi32> to vector<4x1xi32>
      %mul3A_269 = arith.constant 5 : i32
      %mul3A_270 = vector.broadcast %mul3A_269 : i32 to vector<4x1xi32>
      %mul3A_271 = arith.muli %broadcast_in_dim3A_268, %mul3A_270 : vector<4x1xi32>
      %add3A_272 = vector.broadcast %mul3A_271 : vector<4x1xi32> to vector<4x5xi32>
      %add3A_273 = arith.addi %add3A_272, %iota3A_41 : vector<4x5xi32>
      %swap3A_274 = arith.constant 0 : index
      %swap3A_275 = arith.constant 30 : index
      %swap3A_276 = vector.load %arg7[%swap3A_274, %swap3A_275] : memref<4x40xi32, #tpu.memory_space<vmem>>, vector<4x5xi32>
      tpu.vector_store %arg7[%swap3A_274, %swap3A_275], %add3A_273 {strides = array<i32>} : memref<4x40xi32, #tpu.memory_space<vmem>>, vector<4x5xi32>,
      %broadcast_in_dim3A_277 = vector.shape_cast %reduce_min3A_263 : vector<4xi32> to vector<4x1xi32>
      %eq3A_278 = vector.broadcast %broadcast_in_dim3A_277 : vector<4x1xi32> to vector<4x64xi32>
      %eq3A_279 = arith.cmpi eq, %iota3A, %eq3A_278 : vector<4x64xi32>
      %jit3A_280 = arith.constant 0xFF800000 : f32
      %broadcast_in_dim3A_281 = vector.broadcast %jit3A_280 : f32 to vector<4x64xf32>
      %select_n3A_282 = arith.select %eq3A_279, %broadcast_in_dim3A_281, %select_n3A_247 : vector<4x64xi1>, vector<4x64xf32>
      %reduce_max3A_283 = arith.constant dense<0xFF800000> : vector<4xf32>
      %reduce_max3A_284 = vector.multi_reduction <maximumf>, %select_n3A_282, %reduce_max3A_283 [1] : vector<4x64xf32> to vector<4xf32>
      %broadcast_in_dim3A_285 = vector.shape_cast %reduce_max3A_284 : vector<4xf32> to vector<4x1xf32>
      %reduce_sum3A_286 = vector.shape_cast %broadcast_in_dim3A_285 : vector<4x1xf32> to vector<1x4x1xf32>
      %reduce_sum3A_287 = arith.constant dense<0.000000e+00> : vector<1xf32>
      %reduce_sum3A_288 = vector.multi_reduction <add>, %reduce_sum3A_286, %reduce_sum3A_287 [1, 2] : vector<1x4x1xf32> to vector<1xf32>
      %reduce_sum3A_289 = vector.shape_cast %reduce_sum3A_288 : vector<1xf32> to vector<1x1x1xf32>
      %reduce_sum3A_290 = vector.extract %reduce_sum3A_289[0, 0, 0] : f32 from vector<1x1x1xf32>
      %add3A_291 = arith.addf %add3A_256, %reduce_sum3A_290 : f32
      %eq3A_292 = vector.broadcast %broadcast_in_dim3A_285 : vector<4x1xf32> to vector<4x64xf32>
      %eq3A_293 = arith.cmpf oeq, %select_n3A_282, %eq3A_292 : vector<4x64xf32>
      %jit3A_294 = arith.constant 64 : i32
      %broadcast_in_dim3A_295 = vector.broadcast %jit3A_294 : i32 to vector<4x64xi32>
      %select_n3A_296 = arith.select %eq3A_293, %iota3A, %broadcast_in_dim3A_295 : vector<4x64xi1>, vector<4x64xi32>
      %reduce_min3A_297 = arith.constant dense<2147483647> : vector<4xi32>
      %reduce_min3A_298 = vector.multi_reduction <minsi>, %select_n3A_296, %reduce_min3A_297 [1] : vector<4x64xi32> to vector<4xi32>
      %broadcast_in_dim3A_299 = vector.shape_cast %reduce_min3A_298 : vector<4xi32> to vector<4x1xi32>
      %swap3A_300 = arith.constant 0 : index
      %swap3A_301 = arith.constant 7 : index
      %swap3A_302 = vector.load %arg6[%swap3A_300, %swap3A_301] : memref<4x8xi32, #tpu.memory_space<vmem>>, vector<4x1xi32>
      tpu.vector_store %arg6[%swap3A_300, %swap3A_301], %broadcast_in_dim3A_299 {strides = array<i32>} : memref<4x8xi32, #tpu.memory_space<vmem>>, vector<4x1xi32>,
      %broadcast_in_dim3A_303 = vector.shape_cast %reduce_min3A_298 : vector<4xi32> to vector<4x1xi32>
      %mul3A_304 = arith.constant 5 : i32
      %mul3A_305 = vector.broadcast %mul3A_304 : i32 to vector<4x1xi32>
      %mul3A_306 = arith.muli %broadcast_in_dim3A_303, %mul3A_305 : vector<4x1xi32>
      %add3A_307 = vector.broadcast %mul3A_306 : vector<4x1xi32> to vector<4x5xi32>
      %add3A_308 = arith.addi %add3A_307, %iota3A_41 : vector<4x5xi32>
      %swap3A_309 = arith.constant 0 : index
      %swap3A_310 = arith.constant 35 : index
      %swap3A_311 = vector.load %arg7[%swap3A_309, %swap3A_310] : memref<4x40xi32, #tpu.memory_space<vmem>>, vector<4x5xi32>
      tpu.vector_store %arg7[%swap3A_309, %swap3A_310], %add3A_308 {strides = array<i32>} : memref<4x40xi32, #tpu.memory_space<vmem>>, vector<4x5xi32>,
      %mul3A_312 = arith.constant 2.500000e-01 : f32
      %mul3A_313 = arith.mulf %add3A_291, %mul3A_312 : f32
      %broadcast_in_dim3A_314 = vector.broadcast %mul3A_313 : f32 to vector<1x1xf32>
      %swap3A_315 = arith.constant 0 : index
      %swap3A_316 = arith.constant 0 : index
      %swap3A_317 = vector.load %arg8[%swap3A_315, %swap3A_316] : memref<1x1xf32, #tpu.memory_space<vmem>>, vector<1x1xf32>
      tpu.vector_store %arg8[%swap3A_315, %swap3A_316], %broadcast_in_dim3A_314 {strides = array<i32>} : memref<1x1xf32, #tpu.memory_space<vmem>>, vector<1x1xf32>,
    } else {
    }
    return
  }
  func.func @transform_0(%arg0: i32, %arg1: i32) -> (i32, i32, i32) {
    %min3A = arith.constant 3 : i32
    %min3A_0 = arith.minsi %arg1, %min3A : i32
    %c0_i32 = arith.constant 0 : i32
    %c0_i32_1 = arith.constant 0 : i32
    return %arg0, %min3A_0, %c0_i32 : i32, i32, i32
  }
  func.func @transform_1(%arg0: i32, %arg1: i32) -> (i32, i32) {
    %c0_i32 = arith.constant 0 : i32
    %c0_i32_0 = arith.constant 0 : i32
    %c0_i32_1 = arith.constant 0 : i32
    return %c0_i32, %c0_i32_0 : i32, i32
  }
  func.func @transform_2(%arg0: i32, %arg1: i32) -> (i32, i32, i32) {
    %c0_i32 = arith.constant 0 : i32
    %c0_i32_0 = arith.constant 0 : i32
    return %arg0, %arg1, %c0_i32 : i32, i32, i32
  }
  func.func @transform_3(%arg0: i32, %arg1: i32) -> (i32, i32) {
    %c0_i32 = arith.constant 0 : i32
    %c0_i32_0 = arith.constant 0 : i32
    %c0_i32_1 = arith.constant 0 : i32
    return %c0_i32, %c0_i32_0 : i32, i32
  }
  func.func @transform_4(%arg0: i32, %arg1: i32) -> (i32, i32) {
    %c0_i32 = arith.constant 0 : i32
    %c0_i32_0 = arith.constant 0 : i32
    %c0_i32_1 = arith.constant 0 : i32
    return %c0_i32, %c0_i32_0 : i32, i32
  }
  func.func @transform_5(%arg0: i32, %arg1: i32) -> (i32, i32) {
    %c0_i32 = arith.constant 0 : i32
    %c0_i32_0 = arith.constant 0 : i32
    %c0_i32_1 = arith.constant 0 : i32
    return %c0_i32, %c0_i32_0 : i32, i32
  }
  func.func @transform_6(%arg0: i32, %arg1: i32) -> (i32, i32) {
    %c0_i32 = arith.constant 0 : i32
    %c0_i32_0 = arith.constant 0 : i32
    %c0_i32_1 = arith.constant 0 : i32
    return %c0_i32, %c0_i32_0 : i32, i32
  }
}

</mosaic_0001>

<sc_bundles>
// kernel: kernel.4.cloned.1.call-start
scs
__scs_entry_jumppad:
0x0: {  	(pc) =	sbr.rel $0x88, $3  }
0x1: {  	(tag) =	ssettag $0x0;
	lr =	simm.s32 $0x1  }
0x2: {  	[smem:$0x3F9E] =	sst lr;
	_ =	strace $0xD0000000  }
0x3: {  	_ = 	snop  }
0x4: {  	_ = 	snop  }
0x5: {  	_ = 	snop  }
0x6: {  	_ = 	snop  }
0x7: {  	_ = 	snop  }
__scs_overlays_trampoline_lowered:
0x8: {  	[smem:$0x3FAD] =	sst s0  }
0x9: {  	[smem:$0x3FAE] =	sst s1  }
0xa: {  	[smem:$0x3FAF] =	sst s2  }
0xb: {  	[smem:$0x3FB0] =	sst s3  }
0xc: {  	[smem:$0x3FB1] =	sst s4  }
0xd: {  	[smem:$0x3FB2] =	sst s5  }
0xe: {  	[smem:$0x3FB3] =	sst s6  }
0xf: {  	[smem:$0x3FB4] =	sst s7  }
0x10: {  	[smem:$0x3FB5] =	sst s8  }
0x11: {  	[smem:$0x3FB6] =	sst s9;
	s0 =	simm.s32 @!p0 $0x0  }
0x12: {  	s1 =	sld [smem:$0x3F9C];
	s0 =	simm.s32 @p0 $0x1  }
0x13: {  	[smem:$0x3FB7] =	sst s0;
	s0 =	simm.s32 @!p1 $0x0  }
0x14: {  	s2 =	sld [smem:$0x3F9B];
	s0 =	simm.s32 @p1 $0x1  }
0x15: {  	[smem:$0x3FB8] =	sst s0;
	s0 =	simm.s32 @!p2 $0x0  }
0x16: {  	s3 =	sld [smem:$0x3FDB];
	s0 =	simm.s32 @p2 $0x1  }
0x17: {  	s4 =	simm.s32 $0x1BF5;
	[smem:$0x3FBA] =	sst s0  }
0x18: {  	s0 =	sld [smem:$0x3F9D];
	_ =	swait.ge [sflag:s4], $0x0  }
0x19: {  	s7 =	sld [smem:$0x3F9E]  }
0x1a: {  	s8 =	sadd.s32 $0xFFFFE003, lr  }
0x1b: {  	s9 =	sadd.s32 $0xFFFFFEF7, lr;
	s5 =	simm.s32 $0xFFFFFFFF;
	p2 =	slt.u32 s8, $0xFFFFF086  }
0x1c: {  	p1 =	slt.u32 s9, $0xF7A;
	s5 =	simm.s32 @!p2 $0x0  }
0x1d: {  	s5 =	simm.s32 @p1 $0x1;
	p0 =	seq.s32 s7, s2  }
0x1e: {  	s7 =	smul.u32 @!p0 $0xF7A, s2;
	p2 =	seq.s32 @!p0 s5, $0x0  }
0x1f: {  	s9 =	smul.u32 $0xF7A, s1;
	s8 =	simm.s32 @!p0 $0x1BF5;
	p2 =	por !p2, p0  }
0x20: {  	[sflag:s8] =	ssyncset.s32 @!p0 $0xFFFFF086;
	s6 =	sadd.s32 @!p0 s3, s7;
	s7 =	simm.s32 @!p0 $0x108  }
0x21: {  	s3 =	sadd.s32 s3, s9;
	s6 =	sadd.s32 @!p0 $0x88, s6;
	s7 =	simm.s32 @p2 $0x1082  }
0x22: {  	[simem:s7], [sflag:s8] =	dma.local @!p0 [hbm:s6], $0xF7A  }
0x23: {  	s9 =	sor.u32 $0xD0000000, s2;
	s6 =	simm.s32 $0x108;
	_ =	swait.ge @!p0 [sflag:s8], $0x0  }
0x24: {  	s3 =	sadd.s32 $0x88, s3;
	s6 =	simm.s32 @!p1 $0x1082;
	[sflag:s4] =	ssyncset.s32 $0xFFFFF086  }
0x25: {  	[simem:s6], [sflag:s4] =	dma.local [hbm:s3], $0xF7A  }
0x26: {  	[smem:$0x3F9E] =	sst s1;
	(tag) =	ssettag s2;
	_ =	strace s9  }
0x27: {  	s1 =	sld [smem:$0x3FAE]  }
0x28: {  	s2 =	sld [smem:$0x3FAF]  }
0x29: {  	s4 =	sld [smem:$0x3FB1]  }
0x2a: {  	p0 =	seq.s32 s5, $0x0;
	s5 =	sld [smem:$0x3FB2]  }
0x2b: {  	s6 =	sld [smem:$0x3FB3]  }
0x2c: {  	s7 =	sld [smem:$0x3FB4]  }
0x2d: {  	s3 =	simm.s32 $0x108;
	s8 =	sld [smem:$0x3FB5]  }
0x2e: {  	s3 =	simm.s32 @!p0 $0x1082;
	s9 =	sld [smem:$0x3FB6]  }
0x2f: {  	lr =	sadd.s32 s0, s3;
	s0 =	sld [smem:$0x3FAD]  }
0x30: {  	s3 =	sld [smem:$0x3FB0]  }
0x31: {  	[smem:$0x3FB9] =	sst s10  }
0x32: {  	s10 =	sld [smem:$0x3FB7];
	_ =	sdelay $0x3  }
0x33: {  	p0 =	seq.s32 s10, $0x1;
	s10 =	sld [smem:$0x3FB9];
	_ =	sdelay $0x3  }
0x34: {  	[smem:$0x3FB9] =	sst s10  }
0x35: {  	s10 =	sld [smem:$0x3FB8];
	_ =	sdelay $0x3  }
0x36: {  	p1 =	seq.s32 s10, $0x1;
	s10 =	sld [smem:$0x3FB9];
	_ =	sdelay $0x3  }
0x37: {  	[smem:$0x3FB9] =	sst s10  }
0x38: {  	s10 =	sld [smem:$0x3FBA]  }
0x39: {  	_ = 	snop;
	(pc) =	sbr.ind lr, $3  }
0x3a: {  	_ = 	snop  }
0x3b: {  	_ = 	snop  }
0x3c: {  	p2 =	seq.s32 s10, $0x1;
	s10 =	sld [smem:$0x3FB9]  }
0x3d: {  	_ =	shalt  }
0x3e: {  	_ =	shalt  }
0x3f: {  	_ =	shalt  }
0x40: {  	_ =	shalt  }
0x41: {  	_ =	shalt  }
0x42: {  	_ =	shalt  }
0x43: {  	_ =	shalt  }
0x44: {  	_ =	shalt  }
0x45: {  	_ =	shalt  }
0x46: {  	_ =	shalt  }
0x47: {  	_ =	shalt  }
0x48: {  	_ =	shalt  }
0x49: {  	_ =	shalt  }
0x4a: {  	_ =	shalt  }
0x4b: {  	_ =	shalt  }
0x4c: {  	_ =	shalt  }
0x4d: {  	_ =	shalt  }
0x4e: {  	_ =	shalt  }
0x4f: {  	_ =	shalt  }
0x50: {  	_ =	shalt  }
0x51: {  	_ =	shalt  }
0x52: {  	_ =	shalt  }
0x53: {  	_ =	shalt  }
0x54: {  	_ =	shalt  }
0x55: {  	_ =	shalt  }
0x56: {  	_ =	shalt  }
0x57: {  	_ =	shalt  }
0x58: {  	_ =	shalt  }
0x59: {  	_ =	shalt  }
0x5a: {  	_ =	shalt  }
0x5b: {  	_ =	shalt  }
0x5c: {  	_ =	shalt  }
0x5d: {  	_ =	shalt  }
0x5e: {  	_ =	shalt  }
0x5f: {  	_ =	shalt  }
0x60: {  	_ =	shalt  }
0x61: {  	_ =	shalt  }
0x62: {  	_ =	shalt  }
0x63: {  	_ =	shalt  }
0x64: {  	_ =	shalt  }
0x65: {  	_ =	shalt  }
0x66: {  	_ =	shalt  }
0x67: {  	_ =	shalt  }
0x68: {  	_ =	shalt  }
0x69: {  	_ =	shalt  }
0x6a: {  	_ =	shalt  }
0x6b: {  	_ =	shalt  }
0x6c: {  	_ =	shalt  }
0x6d: {  	_ =	shalt  }
0x6e: {  	_ =	shalt  }
0x6f: {  	_ =	shalt  }
0x70: {  	_ =	shalt  }
0x71: {  	_ =	shalt  }
0x72: {  	_ =	shalt  }
0x73: {  	_ =	shalt  }
0x74: {  	_ =	shalt  }
0x75: {  	_ =	shalt  }
0x76: {  	_ =	shalt  }
0x77: {  	_ =	shalt  }
0x78: {  	_ =	shalt  }
0x79: {  	_ =	shalt  }
0x7a: {  	_ =	shalt  }
0x7b: {  	_ =	shalt  }
0x7c: {  	_ =	shalt  }
0x7d: {  	_ =	shalt  }
0x7e: {  	_ =	shalt  }
0x7f: {  	_ =	shalt  }
0x80: {  	_ =	shalt  }
0x81: {  	_ =	shalt  }
0x82: {  	_ =	shalt  }
0x83: {  	_ =	shalt  }
0x84: {  	_ =	shalt  }
0x85: {  	_ =	shalt  }
0x86: {  	_ =	shalt  }
0x87: {  	_ =	shalt  }
.Lfunc_end0:
.L_simem_size_0:
called_computation_lowered:
.L_overlay_start_0:
0x88: {  	s2 =	sld [smem:$0x3FD9]  }
0x89: {  	s3 =	sld [smem:$0x3FFE];
	_ =	sdelay $0x1  }
0x8a: {  	s1 =	srdreg.scid  }
0x8b: {  	s0 =	sand.u32 $0x1, s1  }
0x8c: {  	s14 =	sshll.u32 s0, $0xA;
	s2 =	sadd.s32 s3, s2  }
0x8d: {  	s2 =	sadd.s32 s2, s14  }
0x8e: {  	[smem:$0x3FC5] =	sst s2  }
0x8f: {  	_ = 	snop  }
0x90: {  	s2 =	sld [smem:$0x3FD0];
	_ =	sdelay $0x2  }
0x91: {  	s15 =	simm.s32 $0xA;
	s4 =	simm.s32 $0x10  }
0x92: {  	[smem:s4], [sflag:s15] =	dma.local [hbm:s2], $0x1  }
0x93: {  	_ =	swait.eq [sflag:s15], $0x1  }
0x94: {  	[sflag:s15] =	ssyncset.done $0x0  }
0x95: {  	[sflag:s15] =	ssyncadd.s32 $0xFFFFFFFF  }
0x96: {  	s16 =	sld [smem:$0x10];
	(tm) =	ssettm $0x1  }
0x97: {  	s17 =	sld [smem:$0x3FFB];
	_ =	sdelay $0x3  }
0x98: {  	_ =	strace s17  }
0x99: {  	s3 =	sld [smem:$0x3FFC];
	_ =	sdelay $0x3  }
0x9a: {  	_ =	strace s3  }
0x9b: {  	s3 =	sld [smem:$0x3FFD];
	_ =	sdelay $0x3  }
0x9c: {  	_ =	strace s3  }
0x9d: {  	_ =	strace $0x8FFFFFFF  }
0x9e: {  	s18 =	sld [smem:$0x3FDB];
	_ =	sdelay $0x1  }
0x9f: {  	s19 =	simm.s32 $_scs_section_size  }
0xa0: {  	s5 =	simm.s32 $_size__tile_overlayer_lowered;
	s6 =	simm.s32 $_tile_overlayer_lowered  }
0xa1: {  	s22 =	simm.s32 $0x1BFF;
	s21 =	sshll.u32 s6, $0x1;
	s3 =	sadd.s32 s19, s18  }
0xa2: {  	s7 =	simm.s32 $0x0;
	s20 =	sshll.u32 s5, $0x1;
	s5 =	sadd.s32 s21, s3  }
0xa3: {  	[timem:s7], [sflag:s22] =	dma.local [hbm:s5], s20  }
0xa4: {  	_ =	swait.ge [sflag:s22], s20  }
0xa5: {  	s4 =	ssub.s32 $0x0, s20;
	[sflag:s22] =	ssyncset.done $0x0  }
0xa6: {  	[sflag:s22] =	ssyncadd.s32 s4;
	_ =	sdelay $0x1  }
0xa7: {  	s23 =	simm.s32 $0x1B8B  }
0xa8: {  	_ =	swait.ge [sflag:s23], $0x1  }
0xa9: {  	[sflag:s23] =	ssyncset.done $0x0  }
0xaa: {  	s25 =	simm.s32 $0x1B8E;
	s24 =	sld [smem:$0x3FFE];
	[sflag:s23] =	ssyncadd.s32 $0xFFFFFFFF  }
0xab: {  	s26 =	simm.s32 $execute0_lowered;
	[smem:$0x3FD2] =	sst s25  }
0xac: {  	s5 =	sshll.u32 s26, $0x1;
	_ =	strace $0x80000046;
	[dreg:$0x1] =	wrdreg $0xFFFFFFFF  }
0xad: {  	s28 =	simm.s32 $_size_execute0_lowered;
	s3 =	sadd.s32 s3, s5;
	[dreg:$0x0] =	wrdreg $0x0  }
0xae: {  	s5 =	sshll.u32 s28, $0x1;
	[dreg:$0x2] =	wrdreg s3  }
0xaf: {  	[dreg:$0x3] =	wrdreg s5  }
0xb0: {  	[dreg:$0x4] =	wrdreg $0xC0  }
0xb1: {  	_ =	task [dreg:s7], $0x5FFFF  }
0xb2: {  	[dreg:$0x1] =	wrdreg $0xFFFFFFFF  }
0xb3: {  	[dreg:$0x0] =	wrdreg $0x60  }
0xb4: {  	[dreg:$0x2] =	wrdreg s24  }
0xb5: {  	[dreg:$0x3] =	wrdreg s16  }
0xb6: {  	[dreg:$0x4] =	wrdreg $0x9  }
0xb7: {  	_ =	task.clear_ibuf [dreg:s7], $0x5FFFF;
	_ =	strace $0x90000046  }
0xb8: {  	s29 =	simm.s32 $0x9;
	_ =	strace $0x80000048  }
0xb9: {  	_ =	swait.ge [sflag:s29], $0x1  }
0xba: {  	[sflag:s29] =	ssyncadd.s32 $0xFFFFFFFF  }
0xbb: {  	_ =	strace $0x90000048  }
0xbc: {  	_ =	sfence  }
0xbd: {  	s30 =	sld [smem:$0x0];
	_ =	sdelay $0x2  }
0xbe: {  	s31 =	sshll.u32 s1, $0xD;
	s1 =	sshrl.u32 s1, $0x2  }
0xbf: {  	s3 =	sand.u32 $0x4000, s31;
	s1 =	sadd.s32 s1, s30  }
0xc0: {  	s0 =	sor.u32 s3, s0;
	s1 =	sshll.u32 s1, $0x11  }
0xc1: {  	s0 =	sor.u32 s1, s0  }
0xc2: {  	s0 =	sadd.s32 $0x8F2B, s0  }
0xc3: {  	[sflag:s0] =	ssyncadd.remote.s32 $0x1  }
0xc4: {  	_ =	sfence.sel $0xFFFF  }
0xc5: {  	[dreg:$0x0] =	wrdreg $0xFFFFFFFF;
	(pc) =	sbr.abs _section_cstart, $3  }
0xc6: {  	[dreg:$0x1] =	wrdreg $0xFFFFFFFF  }
0xc7: {  	_ =	task.clear_ibuf [dreg:s7], $0x2FFFF;
	_ =	strace $0x9FFFFFFF  }
0xc8: {  	(tm) =	ssettm $0x7FFFFFFF  }
0xc9: {  	_ =	shalt  }
tec
execute0_lowered:
.L_overlay_start_1:
0x0: {  	(tag) =	ssettag $0x1  }
0x1: {  	s1 =	stileid.u32  }
0x2: {  	p0 =	sgt.u32 s1, $0x1  }
.Ltmp0:
0x3: {  	_ = 	snop;
	(pc) =	sbr.rel @p0 .LBB2_3-.Ltmp0, $4  }
0x4: {  	_ = 	snop  }
0x5: {  	s0 =	rddreg [dreg:$0x0];
	s2 =	simm.s32 $0x0  }
0x6: {  	[smem:$0x7FF] =	sst s2  }
0x7: {  	s3 =	rddreg [dreg:$0x1];
	_ =	strace $0x80000047  }
0x8: {  	s8 =	simm.s32 $0x880  }
0x9: {  	s9 =	simm.s32 $0x1080;
	[dreg:$0x5] =	wrdreg s8  }
0xa: {  	s10 =	simm.s32 $0x1880;
	[dreg:$0x6] =	wrdreg s9  }
0xb: {  	s12 =	simm.s32 $0x2080;
	[dreg:$0x7] =	wrdreg s10  }
0xc: {  	s13 =	simm.s32 $0x2880;
	[dreg:$0x8] =	wrdreg s12  }
0xd: {  	s4 =	srdreg.scid;
	s14 =	simm.s32 $0x3080;
	[dreg:$0x9] =	wrdreg s13  }
0xe: {  	s1 =	stileid.u32;
	s15 =	simm.s32 $0x3880;
	[dreg:$0xa] =	wrdreg s14  }
0xf: {  	s16 =	simm.s32 $0x4080;
	s17 =	simm.s32 $0x4880;
	[dreg:$0xb] =	wrdreg s15  }
0x10: {  	s18 =	simm.s32 $0x5080;
	s19 =	simm.s32 $0x5880;
	[dreg:$0xc] =	wrdreg s16  }
0x11: {  	s20 =	simm.s32 $0x6080;
	s21 =	simm.s32 $0x9080;
	[dreg:$0xd] =	wrdreg s17  }
0x12: {  	s22 =	simm.s32 $0x9880;
	s24 =	simm.s32 $0xA080;
	[dreg:$0xe] =	wrdreg s18  }
0x13: {  	s25 =	simm.s32 $0xA880;
	s26 =	simm.s32 $0xB080;
	[dreg:$0xf] =	wrdreg s19  }
0x14: {  	s28 =	simm.s32 $0x12080;
	s29 =	simm.s32 $0x12880;
	[dreg:$0x10] =	wrdreg s20  }
0x15: {  	s30 =	simm.s32 $0x13080;
	s31 =	simm.s32 $0x13880;
	[dreg:$0x16] =	wrdreg s21  }
0x16: {  	s11 =	sand.u32 $0x1, s4;
	s6 =	sshll.u32 s1, $0x1;
	[dreg:$0x17] =	wrdreg s22  }
0x17: {  	s8 =	simm.s32 $0x7080;
	s9 =	simm.s32 $0x7880;
	[dreg:$0x18] =	wrdreg s24  }
0x18: {  	s10 =	simm.s32 $0x8080;
	s12 =	simm.s32 $0x8880;
	[dreg:$0x19] =	wrdreg s25  }
0x19: {  	s13 =	simm.s32 $0x80;
	[dreg:$0x1a] =	wrdreg s26;
	s15 =	simm.s32 $0xC080  }
0x1a: {  	s16 =	simm.s32 $0xC880;
	s17 =	simm.s32 $0xD080;
	s18 =	simm.s32 $0xD880  }
0x1b: {  	s19 =	simm.s32 $0xE080;
	s20 =	simm.s32 $0xE880;
	s21 =	simm.s32 $0xF080  }
0x1c: {  	s22 =	simm.s32 $0xF880;
	s24 =	simm.s32 $0x10880;
	s25 =	simm.s32 $0x11080  }
0x1d: {  	s26 =	simm.s32 $0x11880;
	s4 =	sor.u32 s11, s6;
	[dreg:$0x12] =	wrdreg s8  }
0x1e: {  	s6 =	sadd.s32 $0x14A00, s0;
	s8 =	sadd.s32 $0xF00, s0;
	[dreg:$0x13] =	wrdreg s9  }
0x1f: {  	s9 =	sadd.s32 $0x1000, s0;
	[dreg:$0x14] =	wrdreg s10;
	s10 =	sadd.s32 $0x1100, s0  }
0x20: {  	[dreg:$0x15] =	wrdreg s12;
	s11 =	ssub.s32 $0x2, s11;
	s12 =	simm.s32 $0x2  }
0x21: {  	s5 =	smul.u32 $0x82800, s4;
	s4 =	sshll.u32 s4, $0x4;
	s23 =	sshrl.u32 s11, $0x1  }
0x22: {  	s7 =	sadd.s32 s6, s4;
	s4 =	sadd.s32 $0xB00, s0;
	s6 =	sadd.s32 $0xD00, s0  }
0x23: {  	s11 =	ssub.s32 s11, s23;
	s23 =	simm.s32 $0x10080;
	s3 =	sadd.s32 s3, s5  }
0x24: {  	v2 =	vlaneseq.u32;
	[dreg:$0x4] =	wrdreg s7;
	s5 =	sadd.s32 $0xC00, s0;
	s7 =	simm.s32 $0x6880  }
0x25: {  	vm0 =	vmmov $0xffff;
	v1 =	vshrl.u32 v2, $0x3;
	s11 =	smax.u32 s11, $0x1;
	[dreg:$0x3] =	wrdreg s3;
	s3 =	sadd.s32 $0xA00, s0  }
0x26: {  	v0 =	vand.u32 $0x7, v2;
	v2 =	vor.u32 $0x8, v2;
	v1 =	vmul.u32 $0x8, v1;
	[dreg:$0x11] =	wrdreg s7;
	s7 =	sadd.s32 $0xE00, s0;
	s0 =	simm.s32 $0x1  }
.LBB2_2:
0x27: {  	s1 =	rddreg [dreg:$0x4]  }
0x28: {  	[tilespmem:s2], [sflag:$0x2] =	stream.linear.gather [hbm4b:s1+s2], $0x80, $0x38;
	[tilespmem:$0x14080] =	vst v63  }
0x29: {  	_ =	swait.ge [sflag:s12], $0x80  }
0x2a: {  	[sflag:s12] =	ssyncset.done $0x0  }
0x2b: {  	[sflag:s12] =	ssyncadd.s32 $0xFFFFFF80  }
0x2c: {  	v3 =	vld [tilespmem:$0x0];
	_ =	sdelay $0x4  }
0x2d: {  	v4 =	vshll.u32 v3, $0x4  }
0x2e: {  	v3 =	vand.u32 $0x7, v3;
	v4 =	vand.u32 $0xFFFFFF80, v4  }
0x2f: {  	v3 =	vor.u32 v3, v4  }
0x30: {  	v4 =	vperm.xlane v3, v0;
	_ =	sdelay $0x1  }
0x31: {  	v4 =	vadd.s32 v1, v4;
	_ =	sdelay $0x4  }
0x32: {  	[tilespmem:s13], [sflag:$0x1] =	stream.indirect_vreg.gather [hbm4b:s3+s2], $0x80, v4, vm0, $0xb8;
	[tilespmem:$0x14080] =	vst v63  }
0x33: {  	s1 =	rddreg [dreg:$0x5]  }
0x34: {  	[tilespmem:s1], [sflag:$0x1] =	stream.indirect_vreg.gather [hbm4b:s4+s2], $0x80, v4, vm0, $0xb8;
	[tilespmem:$0x14080] =	vst v63  }
0x35: {  	s14 =	rddreg [dreg:$0x6]  }
0x36: {  	[tilespmem:s14], [sflag:$0x1] =	stream.indirect_vreg.gather [hbm4b:s5+s2], $0x80, v4, vm0, $0xb8;
	[tilespmem:$0x14080] =	vst v63  }
0x37: {  	s1 =	rddreg [dreg:$0x7]  }
0x38: {  	[tilespmem:s1], [sflag:$0x1] =	stream.indirect_vreg.gather [hbm4b:s6+s2], $0x80, v4, vm0, $0xb8;
	[tilespmem:$0x14080] =	vst v63  }
0x39: {  	s14 =	rddreg [dreg:$0x8]  }
0x3a: {  	[tilespmem:s14], [sflag:$0x1] =	stream.indirect_vreg.gather [hbm4b:s7+s2], $0x80, v4, vm0, $0xb8;
	[tilespmem:$0x14080] =	vst v63  }
0x3b: {  	v3 =	vperm.xlane v3, v2;
	s1 =	rddreg [dreg:$0x9]  }
0x3c: {  	[tilespmem:s1], [sflag:$0x1] =	stream.indirect_vreg.gather [hbm4b:s8+s2], $0x80, v4, vm0, $0xb8;
	[tilespmem:$0x14080] =	vst v63  }
0x3d: {  	v3 =	vadd.s32 v1, v3;
	s14 =	rddreg [dreg:$0xa]  }
0x3e: {  	[tilespmem:s14], [sflag:$0x1] =	stream.indirect_vreg.gather [hbm4b:s9+s2], $0x80, v4, vm0, $0xb8;
	[tilespmem:$0x14080] =	vst v63  }
0x3f: {  	s1 =	rddreg [dreg:$0xb]  }
0x40: {  	[tilespmem:s1], [sflag:$0x1] =	stream.indirect_vreg.gather [hbm4b:s10+s2], $0x80, v4, vm0, $0xb8;
	[tilespmem:$0x14080] =	vst v63  }
0x41: {  	s14 =	rddreg [dreg:$0xc]  }
0x42: {  	[tilespmem:s14], [sflag:$0x1] =	stream.indirect_vreg.gather [hbm4b:s3+s2], $0x80, v3, vm0, $0xb8;
	[tilespmem:$0x14080] =	vst v63  }
0x43: {  	s1 =	rddreg [dreg:$0xd]  }
0x44: {  	[tilespmem:s1], [sflag:$0x1] =	stream.indirect_vreg.gather [hbm4b:s4+s2], $0x80, v3, vm0, $0xb8;
	[tilespmem:$0x14080] =	vst v63  }
0x45: {  	s14 =	rddreg [dreg:$0xe]  }
0x46: {  	[tilespmem:s14], [sflag:$0x1] =	stream.indirect_vreg.gather [hbm4b:s5+s2], $0x80, v3, vm0, $0xb8;
	[tilespmem:$0x14080] =	vst v63  }
0x47: {  	s1 =	rddreg [dreg:$0xf]  }
0x48: {  	[tilespmem:s1], [sflag:$0x1] =	stream.indirect_vreg.gather [hbm4b:s6+s2], $0x80, v3, vm0, $0xb8;
	[tilespmem:$0x14080] =	vst v63  }
0x49: {  	s14 =	rddreg [dreg:$0x10]  }
0x4a: {  	[tilespmem:s14], [sflag:$0x1] =	stream.indirect_vreg.gather [hbm4b:s7+s2], $0x80, v3, vm0, $0xb8;
	[tilespmem:$0x14080] =	vst v63  }
0x4b: {  	s1 =	rddreg [dreg:$0x11]  }
0x4c: {  	[tilespmem:s1], [sflag:$0x1] =	stream.indirect_vreg.gather [hbm4b:s8+s2], $0x80, v3, vm0, $0xb8;
	[tilespmem:$0x14080] =	vst v63  }
0x4d: {  	s14 =	rddreg [dreg:$0x12]  }
0x4e: {  	[tilespmem:s14], [sflag:$0x1] =	stream.indirect_vreg.gather [hbm4b:s9+s2], $0x80, v3, vm0, $0xb8;
	[tilespmem:$0x14080] =	vst v63  }
0x4f: {  	s1 =	rddreg [dreg:$0x13]  }
0x50: {  	[tilespmem:s1], [sflag:$0x1] =	stream.indirect_vreg.gather [hbm4b:s10+s2], $0x80, v3, vm0, $0xb8;
	[tilespmem:$0x14080] =	vst v63  }
0x51: {  	v3 =	vld [tilespmem:$0x10];
	_ =	sdelay $0x4  }
0x52: {  	v62 =	vshll.u32 v3, $0x4  }
0x53: {  	v3 =	vand.u32 $0x7, v3;
	v4 =	vand.u32 $0xFFFFFF80, v62  }
0x54: {  	v3 =	vor.u32 v3, v4  }
0x55: {  	v4 =	vperm.xlane v3, v0;
	_ =	sdelay $0x1  }
0x56: {  	v4 =	vadd.s32 v1, v4;
	_ =	sdelay $0x3  }
0x57: {  	s1 =	rddreg [dreg:$0x14]  }
0x58: {  	[tilespmem:s1], [sflag:$0x1] =	stream.indirect_vreg.gather [hbm4b:s3+s2], $0x80, v4, vm0, $0xb8;
	[tilespmem:$0x14080] =	vst v63  }
0x59: {  	s14 =	rddreg [dreg:$0x15]  }
0x5a: {  	[tilespmem:s14], [sflag:$0x1] =	stream.indirect_vreg.gather [hbm4b:s4+s2], $0x80, v4, vm0, $0xb8;
	[tilespmem:$0x14080] =	vst v63  }
0x5b: {  	s1 =	rddreg [dreg:$0x16]  }
0x5c: {  	[tilespmem:s1], [sflag:$0x1] =	stream.indirect_vreg.gather [hbm4b:s5+s2], $0x80, v4, vm0, $0xb8;
	[tilespmem:$0x14080] =	vst v63  }
0x5d: {  	s14 =	rddreg [dreg:$0x17]  }
0x5e: {  	[tilespmem:s14], [sflag:$0x1] =	stream.indirect_vreg.gather [hbm4b:s6+s2], $0x80, v4, vm0, $0xb8;
	[tilespmem:$0x14080] =	vst v63  }
0x5f: {  	s1 =	rddreg [dreg:$0x18]  }
0x60: {  	[tilespmem:s1], [sflag:$0x1] =	stream.indirect_vreg.gather [hbm4b:s7+s2], $0x80, v4, vm0, $0xb8;
	[tilespmem:$0x14080] =	vst v63  }
0x61: {  	v3 =	vperm.xlane v3, v2;
	s14 =	rddreg [dreg:$0x19]  }
0x62: {  	[tilespmem:s14], [sflag:$0x1] =	stream.indirect_vreg.gather [hbm4b:s8+s2], $0x80, v4, vm0, $0xb8;
	[tilespmem:$0x14080] =	vst v63  }
0x63: {  	v3 =	vadd.s32 v1, v3;
	s1 =	rddreg [dreg:$0x1a]  }
0x64: {  	[tilespmem:s1], [sflag:$0x1] =	stream.indirect_vreg.gather [hbm4b:s9+s2], $0x80, v4, vm0, $0xb8;
	[tilespmem:$0x14080] =	vst v63  }
0x65: {  	s14 =	simm.s32 $0xB880  }
0x66: {  	[tilespmem:s14], [sflag:$0x1] =	stream.indirect_vreg.gather [hbm4b:s10+s2], $0x80, v4, vm0, $0xb8;
	[tilespmem:$0x14080] =	vst v63  }
0x67: {  	_ = 	snop  }
0x68: {  	[tilespmem:s15], [sflag:$0x1] =	stream.indirect_vreg.gather [hbm4b:s3+s2], $0x80, v3, vm0, $0xb8;
	[tilespmem:$0x14080] =	vst v63  }
0x69: {  	_ = 	snop  }
0x6a: {  	[tilespmem:s16], [sflag:$0x1] =	stream.indirect_vreg.gather [hbm4b:s4+s2], $0x80, v3, vm0, $0xb8;
	[tilespmem:$0x14080] =	vst v63  }
0x6b: {  	_ = 	snop  }
0x6c: {  	[tilespmem:s17], [sflag:$0x1] =	stream.indirect_vreg.gather [hbm4b:s5+s2], $0x80, v3, vm0, $0xb8;
	[tilespmem:$0x14080] =	vst v63  }
0x6d: {  	_ = 	snop  }
0x6e: {  	[tilespmem:s18], [sflag:$0x1] =	stream.indirect_vreg.gather [hbm4b:s6+s2], $0x80, v3, vm0, $0xb8;
	[tilespmem:$0x14080] =	vst v63  }
0x6f: {  	_ = 	snop  }
0x70: {  	[tilespmem:s19], [sflag:$0x1] =	stream.indirect_vreg.gather [hbm4b:s7+s2], $0x80, v3, vm0, $0xb8;
	[tilespmem:$0x14080] =	vst v63  }
0x71: {  	_ = 	snop  }
0x72: {  	[tilespmem:s20], [sflag:$0x1] =	stream.indirect_vreg.gather [hbm4b:s8+s2], $0x80, v3, vm0, $0xb8;
	[tilespmem:$0x14080] =	vst v63  }
0x73: {  	_ = 	snop  }
0x74: {  	[tilespmem:s21], [sflag:$0x1] =	stream.indirect_vreg.gather [hbm4b:s9+s2], $0x80, v3, vm0, $0xb8;
	[tilespmem:$0x14080] =	vst v63  }
0x75: {  	_ = 	snop  }
0x76: {  	[tilespmem:s22], [sflag:$0x1] =	stream.indirect_vreg.gather [hbm4b:s10+s2], $0x80, v3, vm0, $0xb8;
	[tilespmem:$0x14080] =	vst v63  }
0x77: {  	v3 =	vld.msk [tilespmem:$0x20], $0xff;
	_ =	sdelay $0x4  }
0x78: {  	v63 =	vshll.u32 v3, $0x4  }
0x79: {  	v3 =	vand.u32 $0x7, v3;
	v4 =	vand.u32 $0xFFFFFF80, v63  }
0x7a: {  	v3 =	vor.u32 v3, v4  }
0x7b: {  	v3 =	vperm.xlane v3, v0;
	_ =	sdelay $0x1  }
0x7c: {  	v3 =	vadd.s32 v1, v3;
	_ =	sdelay $0x4  }
0x7d: {  	[tilespmem:s23], [sflag:$0x1] =	stream.indirect_vreg.gather [hbm4b:s3+s2], $0x80, v3, vm0, $0xb8;
	[tilespmem:$0x14080] =	vst v63  }
0x7e: {  	_ = 	snop  }
0x7f: {  	[tilespmem:s24], [sflag:$0x1] =	stream.indirect_vreg.gather [hbm4b:s4+s2], $0x80, v3, vm0, $0xb8;
	[tilespmem:$0x14080] =	vst v63  }
0x80: {  	_ = 	snop  }
0x81: {  	[tilespmem:s25], [sflag:$0x1] =	stream.indirect_vreg.gather [hbm4b:s5+s2], $0x80, v3, vm0, $0xb8;
	[tilespmem:$0x14080] =	vst v63  }
0x82: {  	_ = 	snop  }
0x83: {  	[tilespmem:s26], [sflag:$0x1] =	stream.indirect_vreg.gather [hbm4b:s6+s2], $0x80, v3, vm0, $0xb8;
	[tilespmem:$0x14080] =	vst v63  }
0x84: {  	_ = 	snop  }
0x85: {  	[tilespmem:s28], [sflag:$0x1] =	stream.indirect_vreg.gather [hbm4b:s7+s2], $0x80, v3, vm0, $0xb8;
	[tilespmem:$0x14080] =	vst v63  }
0x86: {  	_ = 	snop  }
0x87: {  	[tilespmem:s29], [sflag:$0x1] =	stream.indirect_vreg.gather [hbm4b:s8+s2], $0x80, v3, vm0, $0xb8;
	[tilespmem:$0x14080] =	vst v63  }
0x88: {  	_ = 	snop  }
0x89: {  	[tilespmem:s30], [sflag:$0x1] =	stream.indirect_vreg.gather [hbm4b:s9+s2], $0x80, v3, vm0, $0xb8;
	[tilespmem:$0x14080] =	vst v63  }
0x8a: {  	_ = 	snop  }
0x8b: {  	[tilespmem:s31], [sflag:$0x1] =	stream.indirect_vreg.gather [hbm4b:s10+s2], $0x80, v3, vm0, $0xb8;
	[tilespmem:$0x14080] =	vst v63  }
0x8c: {  	_ =	swait.ge [sflag:s0], $0x14000  }
0x8d: {  	p0 =	sne.s32 s11, $0x1;
	[sflag:s0] =	ssyncset.done $0x0  }
.Ltmp1:
0x8e: {  	s14 =	rddreg [dreg:$0x3];
	[sflag:s0] =	ssyncadd.s32 $0xFFFEC000;
	(pc) =	sbr.rel @p0 .LBB2_2-.Ltmp1, $4  }
0x8f: {  	[hbm4b:s14+s2] =	stream.linear.scatter [tilespmem:s13], [sflag:$0x2], $0x14000, $0x38;
	[tilespmem:$0x14080] =	vst v63  }
0x90: {  	_ =	swait.ge [sflag:s12], $0x14000  }
0x91: {  	[sflag:s12] =	ssyncset.done $0x0  }
0x92: {  	s11 =	sadd.s32 $0xFFFFFFFF, s11;
	[sflag:s12] =	ssyncadd.s32 $0xFFFEC000  }
.LBB2_3:
0x93: {  	_ =	sfence.sel $0x180000  }
0x94: {  	[bflag:$0x0] =	sbarrier.arrive $0xFFFF  }
0x95: {  	_ =	strace $0x90000047  }
0x96: {  	s0 =	stileid.u32;
	[bflag:$0x2] =	sbarrier.arrive $0xFFFF  }
0x97: {  	p0 =	sne.s32 s0, $0x0;
	s0 =	rddreg [dreg:$0x2]  }
0x98: {  	s0 =	sadd.s32 @!p0 $0x100000, s0  }
0x99: {  	[sflag:s0] =	ssyncadd.tile.s32 @!p0 $0x1;
	_ =	shalt  }
.Lfunc_end2:
_tile_overlayer_lowered:
.L_overlay_start_2:
0x9a: {  	(tag) =	ssettag $0x2  }
0x9b: {  	s0 =	rddreg [dreg:$0x0];
	s2 =	stileid.u32  }
0x9c: {  	s1 =	rddreg [dreg:$0x1];
	p0 =	sne.s32 s2, $0x0  }
0x9d: {  	s3 =	rddreg [dreg:$0x2];
	[bflag:$0x3] =	sbarrier.arrive $0xFFFF;
	s2 =	simm.s32 @!p0 $0x1C02  }
0x9e: {  	[timem:s3], [sflag:s2] =	dma.local @!p0 [hbm:s0], s1  }
0x9f: {  	s0 =	simm.s32 @!p0 $0x2  }
0xa0: {  	_ =	swait.ge @!p0 [sflag:s0], s1  }
0xa1: {  	s1 =	ssub.s32 @!p0 $0x0, s1;
	[sflag:s0] =	ssyncset.done @!p0 $0x0  }
0xa2: {  	[sflag:s0] =	ssyncadd.s32 @!p0 s1  }
0xa3: {  	[bflag:$0x3] =	sbarrier.arrive $0xFFFF  }
0xa4: {  	_ =	shalt  }

</sc_bundles>
